<compile_context>
chip_gen: v7x
topology: tpu7x:2x2x1
jax: 0.10.2.dev20260603
libtpu: 0.0.44.dev20260713+nightly
codegen_flags: <defaults>
</compile_context>

<pallas_src>
import functools

import jax
import jax.numpy as jnp
from jax import lax
from jax.experimental import pallas as pl
from jax.experimental.pallas import tpu as pltpu
from jax.experimental.pallas import tpu_sc as plsc


def _round_bf16(x):
    b = jax.lax.bitcast_convert_type(x, jnp.uint32)
    lsb = (b >> 16) & jnp.uint32(1)
    b = (b + jnp.uint32(0x7FFF) + lsb) & jnp.uint32(0xFFFF0000)
    return jax.lax.bitcast_convert_type(b, jnp.float32)


B, C, H, W = 16, 96, 32, 32
DIM, K = 32, 8192
N = B * H * W

TN = 256
NT = N // TN
SEG = 4096
CHW = 128


def _tc_body(xp_ref, e_ref, fsq_ref, esq_ref, ind_ref, dsum_ref):
    i = pl.program_id(0)
    xp = xp_ref[...]
    emb = e_ref[...]

    fsq = fsq_ref[...]
    esq = esq_ref[...]
    xp2 = xp + xp
    scores2 = jnp.dot(xp2, emb, preferred_element_type=jnp.float32)
    dist = fsq - scores2 + esq

    lane = lax.broadcasted_iota(jnp.int32, (TN, CHW), 1)
    run_bf = None
    for s in range(K // SEG):
        rm = dist[:, s * SEG:s * SEG + CHW]
        rc = jnp.zeros((TN, CHW), jnp.int32)
        for c in range(1, SEG // CHW):
            d_c = dist[:, s * SEG + c * CHW:s * SEG + (c + 1) * CHW]
            lt = d_c < rm
            rm = jnp.where(lt, d_c, rm)
            rc = jnp.where(lt, c, rc)
        mv = jnp.min(rm, axis=1, keepdims=True)
        kf = rc * CHW + lane + (s * SEG)
        li = jnp.min(jnp.where(rm == mv, kf, K),
                     axis=1, keepdims=True)
        if run_bf is None:
            run_bf = _round_bf16(mv)
            run_i = li
            run_exact = mv
        else:
            take = mv < run_bf
            run_bf = jnp.where(take, _round_bf16(mv), run_bf)
            run_i = jnp.where(take, li, run_i)
            run_exact = jnp.where(take, mv, run_exact)
    ind = run_i[:, 0]
    ind_ref[...] = ind.reshape(1, 1, TN)

    @pl.when(i == 0)
    def _init():
        dsum_ref[...] = jnp.zeros((1, 1), jnp.float32)

    dsum_ref[...] = dsum_ref[...] + jnp.sum(run_exact).reshape(1, 1)

    @pl.when(i == NT - 1)
    def _finish():
        dsum_ref[...] = dsum_ref[...] * (1.0 / (N * DIM))


_tc_call = pl.pallas_call(
    _tc_body,
    grid=(NT,),
    in_specs=[
        pl.BlockSpec((TN, DIM), lambda i: (i, 0)),
        pl.BlockSpec((DIM, K), lambda i: (0, 0)),
        pl.BlockSpec((TN, 1), lambda i: (i, 0)),
        pl.BlockSpec((1, K), lambda i: (0, 0)),
    ],
    out_specs=[
        pl.BlockSpec((1, 1, TN), lambda i: (i, 0, 0)),
        pl.BlockSpec((1, 1), lambda i: (0, 0)),
    ],
    out_shape=[
        jax.ShapeDtypeStruct((NT, 1, TN), jnp.int32),
        jax.ShapeDtypeStruct((1, 1), jnp.float32),
    ],
)


_NC, _NS = 2, 16
_NW = _NC * _NS
_BPW = N // _NW
_CHUNK = 128
_NCHUNK = _BPW // _CHUNK

@functools.cache
def _make_sc_gather():
    mesh = plsc.VectorSubcoreMesh(core_axis_name="c", subcore_axis_name="s")

    @functools.partial(
        pl.kernel,
        mesh=mesh,
        compiler_params=pltpu.CompilerParams(use_tc_tiling_on_sc=False),
        out_type=jax.ShapeDtypeStruct((N, DIM), jnp.float32),
        scratch_types=[
            pltpu.VMEM((_NCHUNK, _CHUNK), jnp.int32),
            pltpu.VMEM((_BPW, DIM), jnp.float32),
            pltpu.SemaphoreType.DMA,
        ],
    )
    def _sc_gather(table_hbm, idx_hbm, out_hbm, idx_v, rows_v, sem):
        wid = lax.axis_index("s") * _NC + lax.axis_index("c")
        pltpu.sync_copy(idx_hbm.at[pl.ds(wid * _NCHUNK, _NCHUNK)], idx_v)
        for j in range(_NCHUNK):
            pltpu.async_copy(
                table_hbm.at[idx_v.at[j]],
                rows_v.at[pl.ds(j * _CHUNK, _CHUNK)],
                sem,
            ).wait()
        pltpu.sync_copy(rows_v, out_hbm.at[pl.ds(wid * _BPW, _BPW)])

    return _sc_gather


def kernel(x, conv_w, conv_b, embed):
    xp_o = jnp.einsum('bchw,ec->bhwe', x.astype(jnp.float32), conv_w) + conv_b
    flat = xp_o.reshape(-1, DIM)
    fsq = (flat ** 2).sum(1, keepdims=True)
    esq = (embed ** 2).sum(0, keepdims=True)
    ind3, dsum = _tc_call(flat, embed, fsq, esq)
    ind = ind3.reshape(N)
    q = _make_sc_gather()(embed.T, ind.reshape(N // _CHUNK, _CHUNK))
    quantize = q.reshape(B, H, W, DIM).transpose(0, 3, 1, 2)
    diff = dsum[0, 0]
    embed_ind_out = ind.reshape(B, H, W)
    return (quantize, diff, embed_ind_out)

# --- scband reference (transcript-rebuilt; emitter-appended) ---
"""Pipeline reference for scband-vector-quantiser-9474697855751 (READ-ONLY COPY).

The authoritative reference and input builder live on the scoring server;
editing this copy changes nothing except your own understanding.
"""

import jax, jax.numpy as jnp
import numpy as np

B, C, H, W = 16, 96, 32, 32
DIM, K = 32, 8192

def setup_inputs(seed: int = 0) -> dict:
    key = jax.random.key(seed)
    k0, k1, k2, k3 = jax.random.split(key, 4)
    x = jax.random.normal(k0, (B, C, H, W), dtype=jnp.float32)
    # conv_in is a 1x1 conv: weight [embed_dim, in_channels], bias [embed_dim]
    conv_w = jax.random.normal(k1, (DIM, C), dtype=jnp.float32) * 0.1
    conv_b = jax.random.normal(k2, (DIM,), dtype=jnp.float32) * 0.01
    # codebook stored as [embed_dim, nb_entries] like the torch buffer
    embed = jax.random.normal(k3, (DIM, K), dtype=jnp.float32)
    return {"x": x, "conv_w": conv_w, "conv_b": conv_b, "embed": embed}

def reference(x, conv_w, conv_b, embed):
    # 1x1 conv then permute to channels-last: [B, H, W, DIM]
    xp = jnp.einsum('bchw,ec->bhwe', x.astype(jnp.float32), conv_w) + conv_b
    flatten = xp.reshape(-1, DIM)
    # squared-distance matrix [N, K]
    dist = (flatten ** 2).sum(1, keepdims=True) - 2.0 * (flatten @ embed) + (embed ** 2).sum(0, keepdims=True)
    embed_ind = jnp.argmax(-dist, axis=1)
    # embedding lookup (gather rows of embed.T)
    quantize = jnp.take(embed.T, embed_ind, axis=0).reshape(xp.shape)
    embed_ind_out = embed_ind.reshape(xp.shape[:-1])
    diff = jnp.mean((jax.lax.stop_gradient(quantize) - xp) ** 2)
    # straight-through estimator
    quantize = xp + jax.lax.stop_gradient(quantize - xp)
    return (quantize.transpose(0, 3, 1, 2), diff, embed_ind_out)

if __name__ == "__main__":
    import jax
    _d = setup_inputs()
    print(jax.jit(kernel)(*tuple(_d.values())))

</pallas_src>

<mosaic_0001>
#map = affine_map<(d0, d1) -> (0, 0)>
module attributes {stable_mosaic.version = 14 : i64} {
  func.func @_sc_gather(%arg0: i32, %arg1: i32, %arg2: memref<8192x32xf32, #tpu.memory_space<hbm>>, %arg3: memref<128x128xi32, #tpu.memory_space<hbm>>, %arg4: memref<16384x32xf32, #tpu.memory_space<hbm>>, %arg5: memref<4x128xi32, #tpu.memory_space<vmem>>, %arg6: memref<512x32xf32, #tpu.memory_space<vmem>>, %arg7: memref<!tpu.dma_semaphore, #tpu.memory_space<semaphore_mem>>) attributes {dimension_semantics = [#tpu.dimension_semantics<core_parallel>, #tpu.dimension_semantics<subcore_parallel>], iteration_bounds = array<i64: 2, 16>, scalar_prefetch = 0 : i64, scratch_operands = 3 : i64, tpu.core_type = #tpu.core_type<sc_vector_subcore>, window_params = [{transform_indices = #map}, {transform_indices = #map}, {transform_indices = #map}]} {
    %mul3A = arith.constant 2 : i32
    %mul3A_0 = arith.muli %arg1, %mul3A : i32
    %add3A = arith.addi %mul3A_0, %arg0 : i32
    %mul3A_1 = arith.constant 4 : i32
    %mul3A_2 = arith.muli %add3A, %mul3A_1 : i32
    "tpu.region"() ({
      %run_scoped3A = tpu.sem_alloc : memref<!tpu.dma_semaphore, #tpu.memory_space<semaphore_mem>>
      %dma_start3A_83 = arith.constant 0 : i32
      %dma_start3A_84 = tpu.memref_slice %arg3[%mul3A_2, %dma_start3A_83] : memref<128x128xi32, #tpu.memory_space<hbm>> -> memref<4x128xi32, #tpu.memory_space<hbm>>
      %dma_start3A_85 = arith.constant 0 : i32
      %dma_start3A_86 = tpu.memref_slice %arg3[%mul3A_2, %dma_start3A_85] : memref<128x128xi32, #tpu.memory_space<hbm>> -> memref<4x128xi32, #tpu.memory_space<hbm>>
      tpu.enqueue_dma source(%dma_start3A_86 : memref<4x128xi32, #tpu.memory_space<hbm>>) target(%arg5 : memref<4x128xi32, #tpu.memory_space<vmem>>) target_semaphore(%run_scoped3A : memref<!tpu.dma_semaphore, #tpu.memory_space<semaphore_mem>>)
      %dma_wait3A_87 = arith.constant 0 : i32
      %dma_wait3A_88 = tpu.memref_slice %arg3[%mul3A_2, %dma_wait3A_87] : memref<128x128xi32, #tpu.memory_space<hbm>> -> memref<4x128xi32, #tpu.memory_space<hbm>>
      %dma_wait3A_89 = arith.constant 0 : i32
      %dma_wait3A_90 = tpu.memref_slice %arg3[%mul3A_2, %dma_wait3A_89] : memref<128x128xi32, #tpu.memory_space<hbm>> -> memref<4x128xi32, #tpu.memory_space<hbm>>
      tpu.wait_dma2 semaphore(%run_scoped3A : memref<!tpu.dma_semaphore, #tpu.memory_space<semaphore_mem>>) src(%dma_wait3A_90 : memref<4x128xi32, #tpu.memory_space<hbm>>) dst(%arg5 : memref<4x128xi32, #tpu.memory_space<vmem>>)
      tpu.yield
    }) : () -> ()
    %dma_start3A = arith.constant 0 : i32
    %dma_start3A_3 = arith.constant 0 : i32
    %dma_start3A_4 = arith.constant 0 : i32
    %dma_start3A_5 = tpu.memref_slice %arg6[%dma_start3A_3, %dma_start3A_4] : memref<512x32xf32, #tpu.memory_space<vmem>> -> memref<128x32xf32, #tpu.memory_space<vmem>>
    %dma_start3A_6 = arith.constant 0 : i32
    %dma_start3A_7 = tpu.memref_slice %arg5[%dma_start3A, %dma_start3A_6] : memref<4x128xi32, #tpu.memory_space<vmem>> -> memref<1x128xi32, #tpu.memory_space<vmem>>
    %dma_start3A_8 = tpu.memref_squeeze %dma_start3A_7 : memref<1x128xi32, #tpu.memory_space<vmem>> -> memref<128xi32, #tpu.memory_space<vmem>>
    %dma_start3A_9 = arith.constant 0 : i32
    %dma_start3A_10 = arith.constant 0 : i32
    %dma_start3A_11 = tpu.memref_slice %arg2[%dma_start3A_9, %dma_start3A_10] : memref<8192x32xf32, #tpu.memory_space<hbm>> -> memref<8192x32xf32, #tpu.memory_space<hbm>>
    tpu.enqueue_indirect_dma source(%dma_start3A_11 : memref<8192x32xf32, #tpu.memory_space<hbm>>) target(%dma_start3A_5 : memref<128x32xf32, #tpu.memory_space<vmem>>) offsets(%dma_start3A_8 : memref<128xi32, #tpu.memory_space<vmem>>) semaphore(%arg7 : memref<!tpu.dma_semaphore, #tpu.memory_space<semaphore_mem>>)
    %dma_wait3A = arith.constant 0 : i32
    %dma_wait3A_12 = arith.constant 0 : i32
    %dma_wait3A_13 = arith.constant 0 : i32
    %dma_wait3A_14 = tpu.memref_slice %arg6[%dma_wait3A_12, %dma_wait3A_13] : memref<512x32xf32, #tpu.memory_space<vmem>> -> memref<128x32xf32, #tpu.memory_space<vmem>>
    %dma_wait3A_15 = arith.constant 0 : i32
    %dma_wait3A_16 = tpu.memref_slice %arg5[%dma_wait3A, %dma_wait3A_15] : memref<4x128xi32, #tpu.memory_space<vmem>> -> memref<1x128xi32, #tpu.memory_space<vmem>>
    %dma_wait3A_17 = tpu.memref_squeeze %dma_wait3A_16 : memref<1x128xi32, #tpu.memory_space<vmem>> -> memref<128xi32, #tpu.memory_space<vmem>>
    %dma_wait3A_18 = arith.constant 0 : i32
    %dma_wait3A_19 = arith.constant 0 : i32
    %dma_wait3A_20 = tpu.memref_slice %arg2[%dma_wait3A_18, %dma_wait3A_19] : memref<8192x32xf32, #tpu.memory_space<hbm>> -> memref<8192x32xf32, #tpu.memory_space<hbm>>
    tpu.wait_indirect_dma semaphore(%arg7 : memref<!tpu.dma_semaphore, #tpu.memory_space<semaphore_mem>>) src(%dma_wait3A_20 : memref<8192x32xf32, #tpu.memory_space<hbm>>) dst(%dma_wait3A_14 : memref<128x32xf32, #tpu.memory_space<vmem>>)
    %dma_start3A_21 = arith.constant 1 : i32
    %dma_start3A_22 = arith.constant 128 : i32
    %dma_start3A_23 = arith.constant 0 : i32
    %dma_start3A_24 = tpu.memref_slice %arg6[%dma_start3A_22, %dma_start3A_23] : memref<512x32xf32, #tpu.memory_space<vmem>> -> memref<128x32xf32, #tpu.memory_space<vmem>>
    %dma_start3A_25 = arith.constant 0 : i32
    %dma_start3A_26 = tpu.memref_slice %arg5[%dma_start3A_21, %dma_start3A_25] : memref<4x128xi32, #tpu.memory_space<vmem>> -> memref<1x128xi32, #tpu.memory_space<vmem>>
    %dma_start3A_27 = tpu.memref_squeeze %dma_start3A_26 : memref<1x128xi32, #tpu.memory_space<vmem>> -> memref<128xi32, #tpu.memory_space<vmem>>
    %dma_start3A_28 = arith.constant 0 : i32
    %dma_start3A_29 = arith.constant 0 : i32
    %dma_start3A_30 = tpu.memref_slice %arg2[%dma_start3A_28, %dma_start3A_29] : memref<8192x32xf32, #tpu.memory_space<hbm>> -> memref<8192x32xf32, #tpu.memory_space<hbm>>
    tpu.enqueue_indirect_dma source(%dma_start3A_30 : memref<8192x32xf32, #tpu.memory_space<hbm>>) target(%dma_start3A_24 : memref<128x32xf32, #tpu.memory_space<vmem>>) offsets(%dma_start3A_27 : memref<128xi32, #tpu.memory_space<vmem>>) semaphore(%arg7 : memref<!tpu.dma_semaphore, #tpu.memory_space<semaphore_mem>>)
    %dma_wait3A_31 = arith.constant 1 : i32
    %dma_wait3A_32 = arith.constant 128 : i32
    %dma_wait3A_33 = arith.constant 0 : i32
    %dma_wait3A_34 = tpu.memref_slice %arg6[%dma_wait3A_32, %dma_wait3A_33] : memref<512x32xf32, #tpu.memory_space<vmem>> -> memref<128x32xf32, #tpu.memory_space<vmem>>
    %dma_wait3A_35 = arith.constant 0 : i32
    %dma_wait3A_36 = tpu.memref_slice %arg5[%dma_wait3A_31, %dma_wait3A_35] : memref<4x128xi32, #tpu.memory_space<vmem>> -> memref<1x128xi32, #tpu.memory_space<vmem>>
    %dma_wait3A_37 = tpu.memref_squeeze %dma_wait3A_36 : memref<1x128xi32, #tpu.memory_space<vmem>> -> memref<128xi32, #tpu.memory_space<vmem>>
    %dma_wait3A_38 = arith.constant 0 : i32
    %dma_wait3A_39 = arith.constant 0 : i32
    %dma_wait3A_40 = tpu.memref_slice %arg2[%dma_wait3A_38, %dma_wait3A_39] : memref<8192x32xf32, #tpu.memory_space<hbm>> -> memref<8192x32xf32, #tpu.memory_space<hbm>>
    tpu.wait_indirect_dma semaphore(%arg7 : memref<!tpu.dma_semaphore, #tpu.memory_space<semaphore_mem>>) src(%dma_wait3A_40 : memref<8192x32xf32, #tpu.memory_space<hbm>>) dst(%dma_wait3A_34 : memref<128x32xf32, #tpu.memory_space<vmem>>)
    %dma_start3A_41 = arith.constant 2 : i32
    %dma_start3A_42 = arith.constant 256 : i32
    %dma_start3A_43 = arith.constant 0 : i32
    %dma_start3A_44 = tpu.memref_slice %arg6[%dma_start3A_42, %dma_start3A_43] : memref<512x32xf32, #tpu.memory_space<vmem>> -> memref<128x32xf32, #tpu.memory_space<vmem>>
    %dma_start3A_45 = arith.constant 0 : i32
    %dma_start3A_46 = tpu.memref_slice %arg5[%dma_start3A_41, %dma_start3A_45] : memref<4x128xi32, #tpu.memory_space<vmem>> -> memref<1x128xi32, #tpu.memory_space<vmem>>
    %dma_start3A_47 = tpu.memref_squeeze %dma_start3A_46 : memref<1x128xi32, #tpu.memory_space<vmem>> -> memref<128xi32, #tpu.memory_space<vmem>>
    %dma_start3A_48 = arith.constant 0 : i32
    %dma_start3A_49 = arith.constant 0 : i32
    %dma_start3A_50 = tpu.memref_slice %arg2[%dma_start3A_48, %dma_start3A_49] : memref<8192x32xf32, #tpu.memory_space<hbm>> -> memref<8192x32xf32, #tpu.memory_space<hbm>>
    tpu.enqueue_indirect_dma source(%dma_start3A_50 : memref<8192x32xf32, #tpu.memory_space<hbm>>) target(%dma_start3A_44 : memref<128x32xf32, #tpu.memory_space<vmem>>) offsets(%dma_start3A_47 : memref<128xi32, #tpu.memory_space<vmem>>) semaphore(%arg7 : memref<!tpu.dma_semaphore, #tpu.memory_space<semaphore_mem>>)
    %dma_wait3A_51 = arith.constant 2 : i32
    %dma_wait3A_52 = arith.constant 256 : i32
    %dma_wait3A_53 = arith.constant 0 : i32
    %dma_wait3A_54 = tpu.memref_slice %arg6[%dma_wait3A_52, %dma_wait3A_53] : memref<512x32xf32, #tpu.memory_space<vmem>> -> memref<128x32xf32, #tpu.memory_space<vmem>>
    %dma_wait3A_55 = arith.constant 0 : i32
    %dma_wait3A_56 = tpu.memref_slice %arg5[%dma_wait3A_51, %dma_wait3A_55] : memref<4x128xi32, #tpu.memory_space<vmem>> -> memref<1x128xi32, #tpu.memory_space<vmem>>
    %dma_wait3A_57 = tpu.memref_squeeze %dma_wait3A_56 : memref<1x128xi32, #tpu.memory_space<vmem>> -> memref<128xi32, #tpu.memory_space<vmem>>
    %dma_wait3A_58 = arith.constant 0 : i32
    %dma_wait3A_59 = arith.constant 0 : i32
    %dma_wait3A_60 = tpu.memref_slice %arg2[%dma_wait3A_58, %dma_wait3A_59] : memref<8192x32xf32, #tpu.memory_space<hbm>> -> memref<8192x32xf32, #tpu.memory_space<hbm>>
    tpu.wait_indirect_dma semaphore(%arg7 : memref<!tpu.dma_semaphore, #tpu.memory_space<semaphore_mem>>) src(%dma_wait3A_60 : memref<8192x32xf32, #tpu.memory_space<hbm>>) dst(%dma_wait3A_54 : memref<128x32xf32, #tpu.memory_space<vmem>>)
    %dma_start3A_61 = arith.constant 3 : i32
    %dma_start3A_62 = arith.constant 384 : i32
    %dma_start3A_63 = arith.constant 0 : i32
    %dma_start3A_64 = tpu.memref_slice %arg6[%dma_start3A_62, %dma_start3A_63] : memref<512x32xf32, #tpu.memory_space<vmem>> -> memref<128x32xf32, #tpu.memory_space<vmem>>
    %dma_start3A_65 = arith.constant 0 : i32
    %dma_start3A_66 = tpu.memref_slice %arg5[%dma_start3A_61, %dma_start3A_65] : memref<4x128xi32, #tpu.memory_space<vmem>> -> memref<1x128xi32, #tpu.memory_space<vmem>>
    %dma_start3A_67 = tpu.memref_squeeze %dma_start3A_66 : memref<1x128xi32, #tpu.memory_space<vmem>> -> memref<128xi32, #tpu.memory_space<vmem>>
    %dma_start3A_68 = arith.constant 0 : i32
    %dma_start3A_69 = arith.constant 0 : i32
    %dma_start3A_70 = tpu.memref_slice %arg2[%dma_start3A_68, %dma_start3A_69] : memref<8192x32xf32, #tpu.memory_space<hbm>> -> memref<8192x32xf32, #tpu.memory_space<hbm>>
    tpu.enqueue_indirect_dma source(%dma_start3A_70 : memref<8192x32xf32, #tpu.memory_space<hbm>>) target(%dma_start3A_64 : memref<128x32xf32, #tpu.memory_space<vmem>>) offsets(%dma_start3A_67 : memref<128xi32, #tpu.memory_space<vmem>>) semaphore(%arg7 : memref<!tpu.dma_semaphore, #tpu.memory_space<semaphore_mem>>)
    %dma_wait3A_71 = arith.constant 3 : i32
    %dma_wait3A_72 = arith.constant 384 : i32
    %dma_wait3A_73 = arith.constant 0 : i32
    %dma_wait3A_74 = tpu.memref_slice %arg6[%dma_wait3A_72, %dma_wait3A_73] : memref<512x32xf32, #tpu.memory_space<vmem>> -> memref<128x32xf32, #tpu.memory_space<vmem>>
    %dma_wait3A_75 = arith.constant 0 : i32
    %dma_wait3A_76 = tpu.memref_slice %arg5[%dma_wait3A_71, %dma_wait3A_75] : memref<4x128xi32, #tpu.memory_space<vmem>> -> memref<1x128xi32, #tpu.memory_space<vmem>>
    %dma_wait3A_77 = tpu.memref_squeeze %dma_wait3A_76 : memref<1x128xi32, #tpu.memory_space<vmem>> -> memref<128xi32, #tpu.memory_space<vmem>>
    %dma_wait3A_78 = arith.constant 0 : i32
    %dma_wait3A_79 = arith.constant 0 : i32
    %dma_wait3A_80 = tpu.memref_slice %arg2[%dma_wait3A_78, %dma_wait3A_79] : memref<8192x32xf32, #tpu.memory_space<hbm>> -> memref<8192x32xf32, #tpu.memory_space<hbm>>
    tpu.wait_indirect_dma semaphore(%arg7 : memref<!tpu.dma_semaphore, #tpu.memory_space<semaphore_mem>>) src(%dma_wait3A_80 : memref<8192x32xf32, #tpu.memory_space<hbm>>) dst(%dma_wait3A_74 : memref<128x32xf32, #tpu.memory_space<vmem>>)
    %mul3A_81 = arith.constant 512 : i32
    %mul3A_82 = arith.muli %add3A, %mul3A_81 : i32
    "tpu.region"() ({
      %run_scoped3A = tpu.sem_alloc : memref<!tpu.dma_semaphore, #tpu.memory_space<semaphore_mem>>
      %dma_start3A_83 = arith.constant 0 : i32
      %dma_start3A_84 = tpu.memref_slice %arg4[%mul3A_82, %dma_start3A_83] : memref<16384x32xf32, #tpu.memory_space<hbm>> -> memref<512x32xf32, #tpu.memory_space<hbm>>
      %dma_start3A_85 = arith.constant 0 : i32
      %dma_start3A_86 = tpu.memref_slice %arg4[%mul3A_82, %dma_start3A_85] : memref<16384x32xf32, #tpu.memory_space<hbm>> -> memref<512x32xf32, #tpu.memory_space<hbm>>
      tpu.enqueue_dma source(%arg6 : memref<512x32xf32, #tpu.memory_space<vmem>>) target(%dma_start3A_86 : memref<512x32xf32, #tpu.memory_space<hbm>>) target_semaphore(%run_scoped3A : memref<!tpu.dma_semaphore, #tpu.memory_space<semaphore_mem>>)
      %dma_wait3A_87 = arith.constant 0 : i32
      %dma_wait3A_88 = tpu.memref_slice %arg4[%mul3A_82, %dma_wait3A_87] : memref<16384x32xf32, #tpu.memory_space<hbm>> -> memref<512x32xf32, #tpu.memory_space<hbm>>
      %dma_wait3A_89 = arith.constant 0 : i32
      %dma_wait3A_90 = tpu.memref_slice %arg4[%mul3A_82, %dma_wait3A_89] : memref<16384x32xf32, #tpu.memory_space<hbm>> -> memref<512x32xf32, #tpu.memory_space<hbm>>
      tpu.wait_dma2 semaphore(%run_scoped3A : memref<!tpu.dma_semaphore, #tpu.memory_space<semaphore_mem>>) src(%arg6 : memref<512x32xf32, #tpu.memory_space<vmem>>) dst(%dma_wait3A_90 : memref<512x32xf32, #tpu.memory_space<hbm>>)
      tpu.yield
    }) : () -> ()
    return
  }
}

module attributes {stable_mosaic.version = 14 : i64} {
  func.func @_tc_body(%arg0: i32, %arg1: memref<256x32xf32, #tpu.memory_space<vmem>>, %arg2: memref<32x8192xf32, #tpu.memory_space<vmem>>, %arg3: memref<256x1xf32, #tpu.memory_space<vmem>>, %arg4: memref<1x8192xf32, #tpu.memory_space<vmem>>, %arg5: memref<1x1x256xi32, #tpu.memory_space<vmem>>, %arg6: memref<1x1xf32, #tpu.memory_space<vmem>>) attributes {dimension_semantics = [#tpu.dimension_semantics<arbitrary>], iteration_bounds = array<i64: 64>, scalar_prefetch = 0 : i64, scratch_operands = 0 : i64, tpu.core_type = #tpu.core_type<tc>, window_params = [{transform_indices = @transform_0, window_bounds = array<i64: 256, 32>}, {pipeline_mode = #tpu.pipeline_mode<synchronous>, transform_indices = @transform_1, window_bounds = array<i64: 32, 8192>}, {transform_indices = @transform_2, window_bounds = array<i64: 256, 1>}, {pipeline_mode = #tpu.pipeline_mode<synchronous>, transform_indices = @transform_3, window_bounds = array<i64: 1, 8192>}, {transform_indices = @transform_4, window_bounds = array<i64: 1, 1, 256>}, {pipeline_mode = #tpu.pipeline_mode<synchronous>, transform_indices = @transform_5, window_bounds = array<i64: 1, 1>}]} {
    %get3A = arith.constant 0 : index
    %get3A_0 = arith.constant 0 : index
    %get3A_1 = vector.load %arg1[%get3A, %get3A_0] : memref<256x32xf32, #tpu.memory_space<vmem>>, vector<256x32xf32>
    %get3A_2 = arith.constant 0 : index
    %get3A_3 = arith.constant 0 : index
    %get3A_4 = vector.load %arg2[%get3A_2, %get3A_3] : memref<32x8192xf32, #tpu.memory_space<vmem>>, vector<32x8192xf32>
    %get3A_5 = arith.constant 0 : index
    %get3A_6 = arith.constant 0 : index
    %get3A_7 = vector.load %arg3[%get3A_5, %get3A_6] : memref<256x1xf32, #tpu.memory_space<vmem>>, vector<256x1xf32>
    %get3A_8 = arith.constant 0 : index
    %get3A_9 = arith.constant 0 : index
    %get3A_10 = vector.load %arg4[%get3A_8, %get3A_9] : memref<1x8192xf32, #tpu.memory_space<vmem>>, vector<1x8192xf32>
    %add3A = arith.addf %get3A_1, %get3A_1 : vector<256x32xf32>
    %dot_general3A = arith.constant dense<0.000000e+00> : vector<256x8192xf32>
    %dot_general3A_11 = tpu.matmul %add3A, %get3A_4, %dot_general3A {dimension_numbers = #tpu.dot_dimension_numbers<[1], [0], [0], [1], [0, 0, 1, 1], [], []>, transpose_lhs_hint = false} : vector<256x32xf32>, vector<32x8192xf32>, vector<256x8192xf32> -> vector<256x8192xf32>
    %sub3A = vector.broadcast %get3A_7 : vector<256x1xf32> to vector<256x8192xf32>
    %sub3A_12 = arith.subf %sub3A, %dot_general3A_11 : vector<256x8192xf32>
    %add3A_13 = vector.broadcast %get3A_10 : vector<1x8192xf32> to vector<256x8192xf32>
    %add3A_14 = arith.addf %sub3A_12, %add3A_13 : vector<256x8192xf32>
    %iota3A = tpu.iota {dimensions = array<i32: 1>} : vector<256x128xi32>
    %slice3A = vector.extract_strided_slice %add3A_14 {offsets = [0, 0], sizes = [256, 128], strides = [1, 1]} : vector<256x8192xf32> to vector<256x128xf32>
    %broadcast_in_dim3A = arith.constant 0 : i32
    %broadcast_in_dim3A_15 = vector.broadcast %broadcast_in_dim3A : i32 to vector<256x128xi32>
    %slice3A_16 = vector.extract_strided_slice %add3A_14 {offsets = [0, 128], sizes = [256, 128], strides = [1, 1]} : vector<256x8192xf32> to vector<256x128xf32>
    %lt3A = arith.cmpf olt, %slice3A_16, %slice3A : vector<256x128xf32>
    %select_n3A = arith.select %lt3A, %slice3A_16, %slice3A : vector<256x128xi1>, vector<256x128xf32>
    %jit3A = arith.constant 1 : i32
    %broadcast_in_dim3A_17 = vector.broadcast %jit3A : i32 to vector<256x128xi32>
    %select_n3A_18 = arith.select %lt3A, %broadcast_in_dim3A_17, %broadcast_in_dim3A_15 : vector<256x128xi1>, vector<256x128xi32>
    %slice3A_19 = vector.extract_strided_slice %add3A_14 {offsets = [0, 256], sizes = [256, 128], strides = [1, 1]} : vector<256x8192xf32> to vector<256x128xf32>
    %lt3A_20 = arith.cmpf olt, %slice3A_19, %select_n3A : vector<256x128xf32>
    %select_n3A_21 = arith.select %lt3A_20, %slice3A_19, %select_n3A : vector<256x128xi1>, vector<256x128xf32>
    %jit3A_22 = arith.constant 2 : i32
    %broadcast_in_dim3A_23 = vector.broadcast %jit3A_22 : i32 to vector<256x128xi32>
    %select_n3A_24 = arith.select %lt3A_20, %broadcast_in_dim3A_23, %select_n3A_18 : vector<256x128xi1>, vector<256x128xi32>
    %slice3A_25 = vector.extract_strided_slice %add3A_14 {offsets = [0, 384], sizes = [256, 128], strides = [1, 1]} : vector<256x8192xf32> to vector<256x128xf32>
    %lt3A_26 = arith.cmpf olt, %slice3A_25, %select_n3A_21 : vector<256x128xf32>
    %select_n3A_27 = arith.select %lt3A_26, %slice3A_25, %select_n3A_21 : vector<256x128xi1>, vector<256x128xf32>
    %jit3A_28 = arith.constant 3 : i32
    %broadcast_in_dim3A_29 = vector.broadcast %jit3A_28 : i32 to vector<256x128xi32>
    %select_n3A_30 = arith.select %lt3A_26, %broadcast_in_dim3A_29, %select_n3A_24 : vector<256x128xi1>, vector<256x128xi32>
    %slice3A_31 = vector.extract_strided_slice %add3A_14 {offsets = [0, 512], sizes = [256, 128], strides = [1, 1]} : vector<256x8192xf32> to vector<256x128xf32>
    %lt3A_32 = arith.cmpf olt, %slice3A_31, %select_n3A_27 : vector<256x128xf32>
    %select_n3A_33 = arith.select %lt3A_32, %slice3A_31, %select_n3A_27 : vector<256x128xi1>, vector<256x128xf32>
    %jit3A_34 = arith.constant 4 : i32
    %broadcast_in_dim3A_35 = vector.broadcast %jit3A_34 : i32 to vector<256x128xi32>
    %select_n3A_36 = arith.select %lt3A_32, %broadcast_in_dim3A_35, %select_n3A_30 : vector<256x128xi1>, vector<256x128xi32>
    %slice3A_37 = vector.extract_strided_slice %add3A_14 {offsets = [0, 640], sizes = [256, 128], strides = [1, 1]} : vector<256x8192xf32> to vector<256x128xf32>
    %lt3A_38 = arith.cmpf olt, %slice3A_37, %select_n3A_33 : vector<256x128xf32>
    %select_n3A_39 = arith.select %lt3A_38, %slice3A_37, %select_n3A_33 : vector<256x128xi1>, vector<256x128xf32>
    %jit3A_40 = arith.constant 5 : i32
    %broadcast_in_dim3A_41 = vector.broadcast %jit3A_40 : i32 to vector<256x128xi32>
    %select_n3A_42 = arith.select %lt3A_38, %broadcast_in_dim3A_41, %select_n3A_36 : vector<256x128xi1>, vector<256x128xi32>
    %slice3A_43 = vector.extract_strided_slice %add3A_14 {offsets = [0, 768], sizes = [256, 128], strides = [1, 1]} : vector<256x8192xf32> to vector<256x128xf32>
    %lt3A_44 = arith.cmpf olt, %slice3A_43, %select_n3A_39 : vector<256x128xf32>
    %select_n3A_45 = arith.select %lt3A_44, %slice3A_43, %select_n3A_39 : vector<256x128xi1>, vector<256x128xf32>
    %jit3A_46 = arith.constant 6 : i32
    %broadcast_in_dim3A_47 = vector.broadcast %jit3A_46 : i32 to vector<256x128xi32>
    %select_n3A_48 = arith.select %lt3A_44, %broadcast_in_dim3A_47, %select_n3A_42 : vector<256x128xi1>, vector<256x128xi32>
    %slice3A_49 = vector.extract_strided_slice %add3A_14 {offsets = [0, 896], sizes = [256, 128], strides = [1, 1]} : vector<256x8192xf32> to vector<256x128xf32>
    %lt3A_50 = arith.cmpf olt, %slice3A_49, %select_n3A_45 : vector<256x128xf32>
    %select_n3A_51 = arith.select %lt3A_50, %slice3A_49, %select_n3A_45 : vector<256x128xi1>, vector<256x128xf32>
    %jit3A_52 = arith.constant 7 : i32
    %broadcast_in_dim3A_53 = vector.broadcast %jit3A_52 : i32 to vector<256x128xi32>
    %select_n3A_54 = arith.select %lt3A_50, %broadcast_in_dim3A_53, %select_n3A_48 : vector<256x128xi1>, vector<256x128xi32>
    %slice3A_55 = vector.extract_strided_slice %add3A_14 {offsets = [0, 1024], sizes = [256, 128], strides = [1, 1]} : vector<256x8192xf32> to vector<256x128xf32>
    %lt3A_56 = arith.cmpf olt, %slice3A_55, %select_n3A_51 : vector<256x128xf32>
    %select_n3A_57 = arith.select %lt3A_56, %slice3A_55, %select_n3A_51 : vector<256x128xi1>, vector<256x128xf32>
    %jit3A_58 = arith.constant 8 : i32
    %broadcast_in_dim3A_59 = vector.broadcast %jit3A_58 : i32 to vector<256x128xi32>
    %select_n3A_60 = arith.select %lt3A_56, %broadcast_in_dim3A_59, %select_n3A_54 : vector<256x128xi1>, vector<256x128xi32>
    %slice3A_61 = vector.extract_strided_slice %add3A_14 {offsets = [0, 1152], sizes = [256, 128], strides = [1, 1]} : vector<256x8192xf32> to vector<256x128xf32>
    %lt3A_62 = arith.cmpf olt, %slice3A_61, %select_n3A_57 : vector<256x128xf32>
    %select_n3A_63 = arith.select %lt3A_62, %slice3A_61, %select_n3A_57 : vector<256x128xi1>, vector<256x128xf32>
    %jit3A_64 = arith.constant 9 : i32
    %broadcast_in_dim3A_65 = vector.broadcast %jit3A_64 : i32 to vector<256x128xi32>
    %select_n3A_66 = arith.select %lt3A_62, %broadcast_in_dim3A_65, %select_n3A_60 : vector<256x128xi1>, vector<256x128xi32>
    %slice3A_67 = vector.extract_strided_slice %add3A_14 {offsets = [0, 1280], sizes = [256, 128], strides = [1, 1]} : vector<256x8192xf32> to vector<256x128xf32>
    %lt3A_68 = arith.cmpf olt, %slice3A_67, %select_n3A_63 : vector<256x128xf32>
    %select_n3A_69 = arith.select %lt3A_68, %slice3A_67, %select_n3A_63 : vector<256x128xi1>, vector<256x128xf32>
    %jit3A_70 = arith.constant 10 : i32
    %broadcast_in_dim3A_71 = vector.broadcast %jit3A_70 : i32 to vector<256x128xi32>
    %select_n3A_72 = arith.select %lt3A_68, %broadcast_in_dim3A_71, %select_n3A_66 : vector<256x128xi1>, vector<256x128xi32>
    %slice3A_73 = vector.extract_strided_slice %add3A_14 {offsets = [0, 1408], sizes = [256, 128], strides = [1, 1]} : vector<256x8192xf32> to vector<256x128xf32>
    %lt3A_74 = arith.cmpf olt, %slice3A_73, %select_n3A_69 : vector<256x128xf32>
    %select_n3A_75 = arith.select %lt3A_74, %slice3A_73, %select_n3A_69 : vector<256x128xi1>, vector<256x128xf32>
    %jit3A_76 = arith.constant 11 : i32
    %broadcast_in_dim3A_77 = vector.broadcast %jit3A_76 : i32 to vector<256x128xi32>
    %select_n3A_78 = arith.select %lt3A_74, %broadcast_in_dim3A_77, %select_n3A_72 : vector<256x128xi1>, vector<256x128xi32>
    %slice3A_79 = vector.extract_strided_slice %add3A_14 {offsets = [0, 1536], sizes = [256, 128], strides = [1, 1]} : vector<256x8192xf32> to vector<256x128xf32>
    %lt3A_80 = arith.cmpf olt, %slice3A_79, %select_n3A_75 : vector<256x128xf32>
    %select_n3A_81 = arith.select %lt3A_80, %slice3A_79, %select_n3A_75 : vector<256x128xi1>, vector<256x128xf32>
    %jit3A_82 = arith.constant 12 : i32
    %broadcast_in_dim3A_83 = vector.broadcast %jit3A_82 : i32 to vector<256x128xi32>
    %select_n3A_84 = arith.select %lt3A_80, %broadcast_in_dim3A_83, %select_n3A_78 : vector<256x128xi1>, vector<256x128xi32>
    %slice3A_85 = vector.extract_strided_slice %add3A_14 {offsets = [0, 1664], sizes = [256, 128], strides = [1, 1]} : vector<256x8192xf32> to vector<256x128xf32>
    %lt3A_86 = arith.cmpf olt, %slice3A_85, %select_n3A_81 : vector<256x128xf32>
    %select_n3A_87 = arith.select %lt3A_86, %slice3A_85, %select_n3A_81 : vector<256x128xi1>, vector<256x128xf32>
    %jit3A_88 = arith.constant 13 : i32
    %broadcast_in_dim3A_89 = vector.broadcast %jit3A_88 : i32 to vector<256x128xi32>
    %select_n3A_90 = arith.select %lt3A_86, %broadcast_in_dim3A_89, %select_n3A_84 : vector<256x128xi1>, vector<256x128xi32>
    %slice3A_91 = vector.extract_strided_slice %add3A_14 {offsets = [0, 1792], sizes = [256, 128], strides = [1, 1]} : vector<256x8192xf32> to vector<256x128xf32>
    %lt3A_92 = arith.cmpf olt, %slice3A_91, %select_n3A_87 : vector<256x128xf32>
    %select_n3A_93 = arith.select %lt3A_92, %slice3A_91, %select_n3A_87 : vector<256x128xi1>, vector<256x128xf32>
    %jit3A_94 = arith.constant 14 : i32
    %broadcast_in_dim3A_95 = vector.broadcast %jit3A_94 : i32 to vector<256x128xi32>
    %select_n3A_96 = arith.select %lt3A_92, %broadcast_in_dim3A_95, %select_n3A_90 : vector<256x128xi1>, vector<256x128xi32>
    %slice3A_97 = vector.extract_strided_slice %add3A_14 {offsets = [0, 1920], sizes = [256, 128], strides = [1, 1]} : vector<256x8192xf32> to vector<256x128xf32>
    %lt3A_98 = arith.cmpf olt, %slice3A_97, %select_n3A_93 : vector<256x128xf32>
    %select_n3A_99 = arith.select %lt3A_98, %slice3A_97, %select_n3A_93 : vector<256x128xi1>, vector<256x128xf32>
    %jit3A_100 = arith.constant 15 : i32
    %broadcast_in_dim3A_101 = vector.broadcast %jit3A_100 : i32 to vector<256x128xi32>
    %select_n3A_102 = arith.select %lt3A_98, %broadcast_in_dim3A_101, %select_n3A_96 : vector<256x128xi1>, vector<256x128xi32>
    %slice3A_103 = vector.extract_strided_slice %add3A_14 {offsets = [0, 2048], sizes = [256, 128], strides = [1, 1]} : vector<256x8192xf32> to vector<256x128xf32>
    %lt3A_104 = arith.cmpf olt, %slice3A_103, %select_n3A_99 : vector<256x128xf32>
    %select_n3A_105 = arith.select %lt3A_104, %slice3A_103, %select_n3A_99 : vector<256x128xi1>, vector<256x128xf32>
    %jit3A_106 = arith.constant 16 : i32
    %broadcast_in_dim3A_107 = vector.broadcast %jit3A_106 : i32 to vector<256x128xi32>
    %select_n3A_108 = arith.select %lt3A_104, %broadcast_in_dim3A_107, %select_n3A_102 : vector<256x128xi1>, vector<256x128xi32>
    %slice3A_109 = vector.extract_strided_slice %add3A_14 {offsets = [0, 2176], sizes = [256, 128], strides = [1, 1]} : vector<256x8192xf32> to vector<256x128xf32>
    %lt3A_110 = arith.cmpf olt, %slice3A_109, %select_n3A_105 : vector<256x128xf32>
    %select_n3A_111 = arith.select %lt3A_110, %slice3A_109, %select_n3A_105 : vector<256x128xi1>, vector<256x128xf32>
    %jit3A_112 = arith.constant 17 : i32
    %broadcast_in_dim3A_113 = vector.broadcast %jit3A_112 : i32 to vector<256x128xi32>
    %select_n3A_114 = arith.select %lt3A_110, %broadcast_in_dim3A_113, %select_n3A_108 : vector<256x128xi1>, vector<256x128xi32>
    %slice3A_115 = vector.extract_strided_slice %add3A_14 {offsets = [0, 2304], sizes = [256, 128], strides = [1, 1]} : vector<256x8192xf32> to vector<256x128xf32>
    %lt3A_116 = arith.cmpf olt, %slice3A_115, %select_n3A_111 : vector<256x128xf32>
    %select_n3A_117 = arith.select %lt3A_116, %slice3A_115, %select_n3A_111 : vector<256x128xi1>, vector<256x128xf32>
    %jit3A_118 = arith.constant 18 : i32
    %broadcast_in_dim3A_119 = vector.broadcast %jit3A_118 : i32 to vector<256x128xi32>
    %select_n3A_120 = arith.select %lt3A_116, %broadcast_in_dim3A_119, %select_n3A_114 : vector<256x128xi1>, vector<256x128xi32>
    %slice3A_121 = vector.extract_strided_slice %add3A_14 {offsets = [0, 2432], sizes = [256, 128], strides = [1, 1]} : vector<256x8192xf32> to vector<256x128xf32>
    %lt3A_122 = arith.cmpf olt, %slice3A_121, %select_n3A_117 : vector<256x128xf32>
    %select_n3A_123 = arith.select %lt3A_122, %slice3A_121, %select_n3A_117 : vector<256x128xi1>, vector<256x128xf32>
    %jit3A_124 = arith.constant 19 : i32
    %broadcast_in_dim3A_125 = vector.broadcast %jit3A_124 : i32 to vector<256x128xi32>
    %select_n3A_126 = arith.select %lt3A_122, %broadcast_in_dim3A_125, %select_n3A_120 : vector<256x128xi1>, vector<256x128xi32>
    %slice3A_127 = vector.extract_strided_slice %add3A_14 {offsets = [0, 2560], sizes = [256, 128], strides = [1, 1]} : vector<256x8192xf32> to vector<256x128xf32>
    %lt3A_128 = arith.cmpf olt, %slice3A_127, %select_n3A_123 : vector<256x128xf32>
    %select_n3A_129 = arith.select %lt3A_128, %slice3A_127, %select_n3A_123 : vector<256x128xi1>, vector<256x128xf32>
    %jit3A_130 = arith.constant 20 : i32
    %broadcast_in_dim3A_131 = vector.broadcast %jit3A_130 : i32 to vector<256x128xi32>
    %select_n3A_132 = arith.select %lt3A_128, %broadcast_in_dim3A_131, %select_n3A_126 : vector<256x128xi1>, vector<256x128xi32>
    %slice3A_133 = vector.extract_strided_slice %add3A_14 {offsets = [0, 2688], sizes = [256, 128], strides = [1, 1]} : vector<256x8192xf32> to vector<256x128xf32>
    %lt3A_134 = arith.cmpf olt, %slice3A_133, %select_n3A_129 : vector<256x128xf32>
    %select_n3A_135 = arith.select %lt3A_134, %slice3A_133, %select_n3A_129 : vector<256x128xi1>, vector<256x128xf32>
    %jit3A_136 = arith.constant 21 : i32
    %broadcast_in_dim3A_137 = vector.broadcast %jit3A_136 : i32 to vector<256x128xi32>
    %select_n3A_138 = arith.select %lt3A_134, %broadcast_in_dim3A_137, %select_n3A_132 : vector<256x128xi1>, vector<256x128xi32>
    %slice3A_139 = vector.extract_strided_slice %add3A_14 {offsets = [0, 2816], sizes = [256, 128], strides = [1, 1]} : vector<256x8192xf32> to vector<256x128xf32>
    %lt3A_140 = arith.cmpf olt, %slice3A_139, %select_n3A_135 : vector<256x128xf32>
    %select_n3A_141 = arith.select %lt3A_140, %slice3A_139, %select_n3A_135 : vector<256x128xi1>, vector<256x128xf32>
    %jit3A_142 = arith.constant 22 : i32
    %broadcast_in_dim3A_143 = vector.broadcast %jit3A_142 : i32 to vector<256x128xi32>
    %select_n3A_144 = arith.select %lt3A_140, %broadcast_in_dim3A_143, %select_n3A_138 : vector<256x128xi1>, vector<256x128xi32>
    %slice3A_145 = vector.extract_strided_slice %add3A_14 {offsets = [0, 2944], sizes = [256, 128], strides = [1, 1]} : vector<256x8192xf32> to vector<256x128xf32>
    %lt3A_146 = arith.cmpf olt, %slice3A_145, %select_n3A_141 : vector<256x128xf32>
    %select_n3A_147 = arith.select %lt3A_146, %slice3A_145, %select_n3A_141 : vector<256x128xi1>, vector<256x128xf32>
    %jit3A_148 = arith.constant 23 : i32
    %broadcast_in_dim3A_149 = vector.broadcast %jit3A_148 : i32 to vector<256x128xi32>
    %select_n3A_150 = arith.select %lt3A_146, %broadcast_in_dim3A_149, %select_n3A_144 : vector<256x128xi1>, vector<256x128xi32>
    %slice3A_151 = vector.extract_strided_slice %add3A_14 {offsets = [0, 3072], sizes = [256, 128], strides = [1, 1]} : vector<256x8192xf32> to vector<256x128xf32>
    %lt3A_152 = arith.cmpf olt, %slice3A_151, %select_n3A_147 : vector<256x128xf32>
    %select_n3A_153 = arith.select %lt3A_152, %slice3A_151, %select_n3A_147 : vector<256x128xi1>, vector<256x128xf32>
    %jit3A_154 = arith.constant 24 : i32
    %broadcast_in_dim3A_155 = vector.broadcast %jit3A_154 : i32 to vector<256x128xi32>
    %select_n3A_156 = arith.select %lt3A_152, %broadcast_in_dim3A_155, %select_n3A_150 : vector<256x128xi1>, vector<256x128xi32>
    %slice3A_157 = vector.extract_strided_slice %add3A_14 {offsets = [0, 3200], sizes = [256, 128], strides = [1, 1]} : vector<256x8192xf32> to vector<256x128xf32>
    %lt3A_158 = arith.cmpf olt, %slice3A_157, %select_n3A_153 : vector<256x128xf32>
    %select_n3A_159 = arith.select %lt3A_158, %slice3A_157, %select_n3A_153 : vector<256x128xi1>, vector<256x128xf32>
    %jit3A_160 = arith.constant 25 : i32
    %broadcast_in_dim3A_161 = vector.broadcast %jit3A_160 : i32 to vector<256x128xi32>
    %select_n3A_162 = arith.select %lt3A_158, %broadcast_in_dim3A_161, %select_n3A_156 : vector<256x128xi1>, vector<256x128xi32>
    %slice3A_163 = vector.extract_strided_slice %add3A_14 {offsets = [0, 3328], sizes = [256, 128], strides = [1, 1]} : vector<256x8192xf32> to vector<256x128xf32>
    %lt3A_164 = arith.cmpf olt, %slice3A_163, %select_n3A_159 : vector<256x128xf32>
    %select_n3A_165 = arith.select %lt3A_164, %slice3A_163, %select_n3A_159 : vector<256x128xi1>, vector<256x128xf32>
    %jit3A_166 = arith.constant 26 : i32
    %broadcast_in_dim3A_167 = vector.broadcast %jit3A_166 : i32 to vector<256x128xi32>
    %select_n3A_168 = arith.select %lt3A_164, %broadcast_in_dim3A_167, %select_n3A_162 : vector<256x128xi1>, vector<256x128xi32>
    %slice3A_169 = vector.extract_strided_slice %add3A_14 {offsets = [0, 3456], sizes = [256, 128], strides = [1, 1]} : vector<256x8192xf32> to vector<256x128xf32>
    %lt3A_170 = arith.cmpf olt, %slice3A_169, %select_n3A_165 : vector<256x128xf32>
    %select_n3A_171 = arith.select %lt3A_170, %slice3A_169, %select_n3A_165 : vector<256x128xi1>, vector<256x128xf32>
    %jit3A_172 = arith.constant 27 : i32
    %broadcast_in_dim3A_173 = vector.broadcast %jit3A_172 : i32 to vector<256x128xi32>
    %select_n3A_174 = arith.select %lt3A_170, %broadcast_in_dim3A_173, %select_n3A_168 : vector<256x128xi1>, vector<256x128xi32>
    %slice3A_175 = vector.extract_strided_slice %add3A_14 {offsets = [0, 3584], sizes = [256, 128], strides = [1, 1]} : vector<256x8192xf32> to vector<256x128xf32>
    %lt3A_176 = arith.cmpf olt, %slice3A_175, %select_n3A_171 : vector<256x128xf32>
    %select_n3A_177 = arith.select %lt3A_176, %slice3A_175, %select_n3A_171 : vector<256x128xi1>, vector<256x128xf32>
    %jit3A_178 = arith.constant 28 : i32
    %broadcast_in_dim3A_179 = vector.broadcast %jit3A_178 : i32 to vector<256x128xi32>
    %select_n3A_180 = arith.select %lt3A_176, %broadcast_in_dim3A_179, %select_n3A_174 : vector<256x128xi1>, vector<256x128xi32>
    %slice3A_181 = vector.extract_strided_slice %add3A_14 {offsets = [0, 3712], sizes = [256, 128], strides = [1, 1]} : vector<256x8192xf32> to vector<256x128xf32>
    %lt3A_182 = arith.cmpf olt, %slice3A_181, %select_n3A_177 : vector<256x128xf32>
    %select_n3A_183 = arith.select %lt3A_182, %slice3A_181, %select_n3A_177 : vector<256x128xi1>, vector<256x128xf32>
    %jit3A_184 = arith.constant 29 : i32
    %broadcast_in_dim3A_185 = vector.broadcast %jit3A_184 : i32 to vector<256x128xi32>
    %select_n3A_186 = arith.select %lt3A_182, %broadcast_in_dim3A_185, %select_n3A_180 : vector<256x128xi1>, vector<256x128xi32>
    %slice3A_187 = vector.extract_strided_slice %add3A_14 {offsets = [0, 3840], sizes = [256, 128], strides = [1, 1]} : vector<256x8192xf32> to vector<256x128xf32>
    %lt3A_188 = arith.cmpf olt, %slice3A_187, %select_n3A_183 : vector<256x128xf32>
    %select_n3A_189 = arith.select %lt3A_188, %slice3A_187, %select_n3A_183 : vector<256x128xi1>, vector<256x128xf32>
    %jit3A_190 = arith.constant 30 : i32
    %broadcast_in_dim3A_191 = vector.broadcast %jit3A_190 : i32 to vector<256x128xi32>
    %select_n3A_192 = arith.select %lt3A_188, %broadcast_in_dim3A_191, %select_n3A_186 : vector<256x128xi1>, vector<256x128xi32>
    %slice3A_193 = vector.extract_strided_slice %add3A_14 {offsets = [0, 3968], sizes = [256, 128], strides = [1, 1]} : vector<256x8192xf32> to vector<256x128xf32>
    %lt3A_194 = arith.cmpf olt, %slice3A_193, %select_n3A_189 : vector<256x128xf32>
    %select_n3A_195 = arith.select %lt3A_194, %slice3A_193, %select_n3A_189 : vector<256x128xi1>, vector<256x128xf32>
    %jit3A_196 = arith.constant 31 : i32
    %broadcast_in_dim3A_197 = vector.broadcast %jit3A_196 : i32 to vector<256x128xi32>
    %select_n3A_198 = arith.select %lt3A_194, %broadcast_in_dim3A_197, %select_n3A_192 : vector<256x128xi1>, vector<256x128xi32>
    %reduce_min3A = arith.constant dense<0x7F800000> : vector<256xf32>
    %reduce_min3A_199 = vector.multi_reduction <minimumf>, %select_n3A_195, %reduce_min3A [1] : vector<256x128xf32> to vector<256xf32>
    %broadcast_in_dim3A_200 = vector.shape_cast %reduce_min3A_199 : vector<256xf32> to vector<256x1xf32>
    %mul3A = arith.constant 128 : i32
    %mul3A_201 = vector.broadcast %mul3A : i32 to vector<256x128xi32>
    %mul3A_202 = arith.muli %select_n3A_198, %mul3A_201 : vector<256x128xi32>
    %add3A_203 = arith.addi %mul3A_202, %iota3A : vector<256x128xi32>
    %add3A_204 = arith.constant 0 : i32
    %add3A_205 = vector.broadcast %add3A_204 : i32 to vector<256x128xi32>
    %add3A_206 = arith.addi %add3A_203, %add3A_205 : vector<256x128xi32>
    %eq3A = vector.broadcast %broadcast_in_dim3A_200 : vector<256x1xf32> to vector<256x128xf32>
    %eq3A_207 = arith.cmpf oeq, %select_n3A_195, %eq3A : vector<256x128xf32>
    %jit3A_208 = arith.constant 8192 : i32
    %broadcast_in_dim3A_209 = vector.broadcast %jit3A_208 : i32 to vector<256x128xi32>
    %select_n3A_210 = arith.select %eq3A_207, %add3A_206, %broadcast_in_dim3A_209 : vector<256x128xi1>, vector<256x128xi32>
    %reduce_min3A_211 = arith.constant dense<2147483647> : vector<256xi32>
    %reduce_min3A_212 = vector.multi_reduction <minsi>, %select_n3A_210, %reduce_min3A_211 [1] : vector<256x128xi32> to vector<256xi32>
    %broadcast_in_dim3A_213 = vector.shape_cast %reduce_min3A_212 : vector<256xi32> to vector<256x1xi32>
    %bitcast_convert_type3A = tpu.bitcast %broadcast_in_dim3A_200 : vector<256x1xf32> -> vector<256x1xi32>
    %shift_right_logical3A = arith.constant 16 : i32
    %shift_right_logical3A_214 = vector.broadcast %shift_right_logical3A : i32 to vector<256x1xi32>
    %shift_right_logical3A_215 = arith.shrui %bitcast_convert_type3A, %shift_right_logical3A_214 : vector<256x1xi32>
    %and3A = arith.constant 1 : i32
    %and3A_216 = vector.broadcast %and3A : i32 to vector<256x1xi32>
    %and3A_217 = arith.andi %shift_right_logical3A_215, %and3A_216 : vector<256x1xi32>
    %add3A_218 = arith.constant 32767 : i32
    %add3A_219 = vector.broadcast %add3A_218 : i32 to vector<256x1xi32>
    %add3A_220 = arith.addi %bitcast_convert_type3A, %add3A_219 : vector<256x1xi32>
    %add3A_221 = arith.addi %add3A_220, %and3A_217 : vector<256x1xi32>
    %and3A_222 = arith.constant -65536 : i32
    %and3A_223 = vector.broadcast %and3A_222 : i32 to vector<256x1xi32>
    %and3A_224 = arith.andi %add3A_221, %and3A_223 : vector<256x1xi32>
    %bitcast_convert_type3A_225 = tpu.bitcast %and3A_224 : vector<256x1xi32> -> vector<256x1xf32>
    %slice3A_226 = vector.extract_strided_slice %add3A_14 {offsets = [0, 4096], sizes = [256, 128], strides = [1, 1]} : vector<256x8192xf32> to vector<256x128xf32>
    %broadcast_in_dim3A_227 = arith.constant 0 : i32
    %broadcast_in_dim3A_228 = vector.broadcast %broadcast_in_dim3A_227 : i32 to vector<256x128xi32>
    %slice3A_229 = vector.extract_strided_slice %add3A_14 {offsets = [0, 4224], sizes = [256, 128], strides = [1, 1]} : vector<256x8192xf32> to vector<256x128xf32>
    %lt3A_230 = arith.cmpf olt, %slice3A_229, %slice3A_226 : vector<256x128xf32>
    %select_n3A_231 = arith.select %lt3A_230, %slice3A_229, %slice3A_226 : vector<256x128xi1>, vector<256x128xf32>
    %jit3A_232 = arith.constant 1 : i32
    %broadcast_in_dim3A_233 = vector.broadcast %jit3A_232 : i32 to vector<256x128xi32>
    %select_n3A_234 = arith.select %lt3A_230, %broadcast_in_dim3A_233, %broadcast_in_dim3A_228 : vector<256x128xi1>, vector<256x128xi32>
    %slice3A_235 = vector.extract_strided_slice %add3A_14 {offsets = [0, 4352], sizes = [256, 128], strides = [1, 1]} : vector<256x8192xf32> to vector<256x128xf32>
    %lt3A_236 = arith.cmpf olt, %slice3A_235, %select_n3A_231 : vector<256x128xf32>
    %select_n3A_237 = arith.select %lt3A_236, %slice3A_235, %select_n3A_231 : vector<256x128xi1>, vector<256x128xf32>
    %jit3A_238 = arith.constant 2 : i32
    %broadcast_in_dim3A_239 = vector.broadcast %jit3A_238 : i32 to vector<256x128xi32>
    %select_n3A_240 = arith.select %lt3A_236, %broadcast_in_dim3A_239, %select_n3A_234 : vector<256x128xi1>, vector<256x128xi32>
    %slice3A_241 = vector.extract_strided_slice %add3A_14 {offsets = [0, 4480], sizes = [256, 128], strides = [1, 1]} : vector<256x8192xf32> to vector<256x128xf32>
    %lt3A_242 = arith.cmpf olt, %slice3A_241, %select_n3A_237 : vector<256x128xf32>
    %select_n3A_243 = arith.select %lt3A_242, %slice3A_241, %select_n3A_237 : vector<256x128xi1>, vector<256x128xf32>
    %jit3A_244 = arith.constant 3 : i32
    %broadcast_in_dim3A_245 = vector.broadcast %jit3A_244 : i32 to vector<256x128xi32>
    %select_n3A_246 = arith.select %lt3A_242, %broadcast_in_dim3A_245, %select_n3A_240 : vector<256x128xi1>, vector<256x128xi32>
    %slice3A_247 = vector.extract_strided_slice %add3A_14 {offsets = [0, 4608], sizes = [256, 128], strides = [1, 1]} : vector<256x8192xf32> to vector<256x128xf32>
    %lt3A_248 = arith.cmpf olt, %slice3A_247, %select_n3A_243 : vector<256x128xf32>
    %select_n3A_249 = arith.select %lt3A_248, %slice3A_247, %select_n3A_243 : vector<256x128xi1>, vector<256x128xf32>
    %jit3A_250 = arith.constant 4 : i32
    %broadcast_in_dim3A_251 = vector.broadcast %jit3A_250 : i32 to vector<256x128xi32>
    %select_n3A_252 = arith.select %lt3A_248, %broadcast_in_dim3A_251, %select_n3A_246 : vector<256x128xi1>, vector<256x128xi32>
    %slice3A_253 = vector.extract_strided_slice %add3A_14 {offsets = [0, 4736], sizes = [256, 128], strides = [1, 1]} : vector<256x8192xf32> to vector<256x128xf32>
    %lt3A_254 = arith.cmpf olt, %slice3A_253, %select_n3A_249 : vector<256x128xf32>
    %select_n3A_255 = arith.select %lt3A_254, %slice3A_253, %select_n3A_249 : vector<256x128xi1>, vector<256x128xf32>
    %jit3A_256 = arith.constant 5 : i32
    %broadcast_in_dim3A_257 = vector.broadcast %jit3A_256 : i32 to vector<256x128xi32>
    %select_n3A_258 = arith.select %lt3A_254, %broadcast_in_dim3A_257, %select_n3A_252 : vector<256x128xi1>, vector<256x128xi32>
    %slice3A_259 = vector.extract_strided_slice %add3A_14 {offsets = [0, 4864], sizes = [256, 128], strides = [1, 1]} : vector<256x8192xf32> to vector<256x128xf32>
    %lt3A_260 = arith.cmpf olt, %slice3A_259, %select_n3A_255 : vector<256x128xf32>
    %select_n3A_261 = arith.select %lt3A_260, %slice3A_259, %select_n3A_255 : vector<256x128xi1>, vector<256x128xf32>
    %jit3A_262 = arith.constant 6 : i32
    %broadcast_in_dim3A_263 = vector.broadcast %jit3A_262 : i32 to vector<256x128xi32>
    %select_n3A_264 = arith.select %lt3A_260, %broadcast_in_dim3A_263, %select_n3A_258 : vector<256x128xi1>, vector<256x128xi32>
    %slice3A_265 = vector.extract_strided_slice %add3A_14 {offsets = [0, 4992], sizes = [256, 128], strides = [1, 1]} : vector<256x8192xf32> to vector<256x128xf32>
    %lt3A_266 = arith.cmpf olt, %slice3A_265, %select_n3A_261 : vector<256x128xf32>
    %select_n3A_267 = arith.select %lt3A_266, %slice3A_265, %select_n3A_261 : vector<256x128xi1>, vector<256x128xf32>
    %jit3A_268 = arith.constant 7 : i32
    %broadcast_in_dim3A_269 = vector.broadcast %jit3A_268 : i32 to vector<256x128xi32>
    %select_n3A_270 = arith.select %lt3A_266, %broadcast_in_dim3A_269, %select_n3A_264 : vector<256x128xi1>, vector<256x128xi32>
    %slice3A_271 = vector.extract_strided_slice %add3A_14 {offsets = [0, 5120], sizes = [256, 128], strides = [1, 1]} : vector<256x8192xf32> to vector<256x128xf32>
    %lt3A_272 = arith.cmpf olt, %slice3A_271, %select_n3A_267 : vector<256x128xf32>
    %select_n3A_273 = arith.select %lt3A_272, %slice3A_271, %select_n3A_267 : vector<256x128xi1>, vector<256x128xf32>
    %jit3A_274 = arith.constant 8 : i32
    %broadcast_in_dim3A_275 = vector.broadcast %jit3A_274 : i32 to vector<256x128xi32>
    %select_n3A_276 = arith.select %lt3A_272, %broadcast_in_dim3A_275, %select_n3A_270 : vector<256x128xi1>, vector<256x128xi32>
    %slice3A_277 = vector.extract_strided_slice %add3A_14 {offsets = [0, 5248], sizes = [256, 128], strides = [1, 1]} : vector<256x8192xf32> to vector<256x128xf32>
    %lt3A_278 = arith.cmpf olt, %slice3A_277, %select_n3A_273 : vector<256x128xf32>
    %select_n3A_279 = arith.select %lt3A_278, %slice3A_277, %select_n3A_273 : vector<256x128xi1>, vector<256x128xf32>
    %jit3A_280 = arith.constant 9 : i32
    %broadcast_in_dim3A_281 = vector.broadcast %jit3A_280 : i32 to vector<256x128xi32>
    %select_n3A_282 = arith.select %lt3A_278, %broadcast_in_dim3A_281, %select_n3A_276 : vector<256x128xi1>, vector<256x128xi32>
    %slice3A_283 = vector.extract_strided_slice %add3A_14 {offsets = [0, 5376], sizes = [256, 128], strides = [1, 1]} : vector<256x8192xf32> to vector<256x128xf32>
    %lt3A_284 = arith.cmpf olt, %slice3A_283, %select_n3A_279 : vector<256x128xf32>
    %select_n3A_285 = arith.select %lt3A_284, %slice3A_283, %select_n3A_279 : vector<256x128xi1>, vector<256x128xf32>
    %jit3A_286 = arith.constant 10 : i32
    %broadcast_in_dim3A_287 = vector.broadcast %jit3A_286 : i32 to vector<256x128xi32>
    %select_n3A_288 = arith.select %lt3A_284, %broadcast_in_dim3A_287, %select_n3A_282 : vector<256x128xi1>, vector<256x128xi32>
    %slice3A_289 = vector.extract_strided_slice %add3A_14 {offsets = [0, 5504], sizes = [256, 128], strides = [1, 1]} : vector<256x8192xf32> to vector<256x128xf32>
    %lt3A_290 = arith.cmpf olt, %slice3A_289, %select_n3A_285 : vector<256x128xf32>
    %select_n3A_291 = arith.select %lt3A_290, %slice3A_289, %select_n3A_285 : vector<256x128xi1>, vector<256x128xf32>
    %jit3A_292 = arith.constant 11 : i32
    %broadcast_in_dim3A_293 = vector.broadcast %jit3A_292 : i32 to vector<256x128xi32>
    %select_n3A_294 = arith.select %lt3A_290, %broadcast_in_dim3A_293, %select_n3A_288 : vector<256x128xi1>, vector<256x128xi32>
    %slice3A_295 = vector.extract_strided_slice %add3A_14 {offsets = [0, 5632], sizes = [256, 128], strides = [1, 1]} : vector<256x8192xf32> to vector<256x128xf32>
    %lt3A_296 = arith.cmpf olt, %slice3A_295, %select_n3A_291 : vector<256x128xf32>
    %select_n3A_297 = arith.select %lt3A_296, %slice3A_295, %select_n3A_291 : vector<256x128xi1>, vector<256x128xf32>
    %jit3A_298 = arith.constant 12 : i32
    %broadcast_in_dim3A_299 = vector.broadcast %jit3A_298 : i32 to vector<256x128xi32>
    %select_n3A_300 = arith.select %lt3A_296, %broadcast_in_dim3A_299, %select_n3A_294 : vector<256x128xi1>, vector<256x128xi32>
    %slice3A_301 = vector.extract_strided_slice %add3A_14 {offsets = [0, 5760], sizes = [256, 128], strides = [1, 1]} : vector<256x8192xf32> to vector<256x128xf32>
    %lt3A_302 = arith.cmpf olt, %slice3A_301, %select_n3A_297 : vector<256x128xf32>
    %select_n3A_303 = arith.select %lt3A_302, %slice3A_301, %select_n3A_297 : vector<256x128xi1>, vector<256x128xf32>
    %jit3A_304 = arith.constant 13 : i32
    %broadcast_in_dim3A_305 = vector.broadcast %jit3A_304 : i32 to vector<256x128xi32>
    %select_n3A_306 = arith.select %lt3A_302, %broadcast_in_dim3A_305, %select_n3A_300 : vector<256x128xi1>, vector<256x128xi32>
    %slice3A_307 = vector.extract_strided_slice %add3A_14 {offsets = [0, 5888], sizes = [256, 128], strides = [1, 1]} : vector<256x8192xf32> to vector<256x128xf32>
    %lt3A_308 = arith.cmpf olt, %slice3A_307, %select_n3A_303 : vector<256x128xf32>
    %select_n3A_309 = arith.select %lt3A_308, %slice3A_307, %select_n3A_303 : vector<256x128xi1>, vector<256x128xf32>
    %jit3A_310 = arith.constant 14 : i32
    %broadcast_in_dim3A_311 = vector.broadcast %jit3A_310 : i32 to vector<256x128xi32>
    %select_n3A_312 = arith.select %lt3A_308, %broadcast_in_dim3A_311, %select_n3A_306 : vector<256x128xi1>, vector<256x128xi32>
    %slice3A_313 = vector.extract_strided_slice %add3A_14 {offsets = [0, 6016], sizes = [256, 128], strides = [1, 1]} : vector<256x8192xf32> to vector<256x128xf32>
    %lt3A_314 = arith.cmpf olt, %slice3A_313, %select_n3A_309 : vector<256x128xf32>
    %select_n3A_315 = arith.select %lt3A_314, %slice3A_313, %select_n3A_309 : vector<256x128xi1>, vector<256x128xf32>
    %jit3A_316 = arith.constant 15 : i32
    %broadcast_in_dim3A_317 = vector.broadcast %jit3A_316 : i32 to vector<256x128xi32>
    %select_n3A_318 = arith.select %lt3A_314, %broadcast_in_dim3A_317, %select_n3A_312 : vector<256x128xi1>, vector<256x128xi32>
    %slice3A_319 = vector.extract_strided_slice %add3A_14 {offsets = [0, 6144], sizes = [256, 128], strides = [1, 1]} : vector<256x8192xf32> to vector<256x128xf32>
    %lt3A_320 = arith.cmpf olt, %slice3A_319, %select_n3A_315 : vector<256x128xf32>
    %select_n3A_321 = arith.select %lt3A_320, %slice3A_319, %select_n3A_315 : vector<256x128xi1>, vector<256x128xf32>
    %jit3A_322 = arith.constant 16 : i32
    %broadcast_in_dim3A_323 = vector.broadcast %jit3A_322 : i32 to vector<256x128xi32>
    %select_n3A_324 = arith.select %lt3A_320, %broadcast_in_dim3A_323, %select_n3A_318 : vector<256x128xi1>, vector<256x128xi32>
    %slice3A_325 = vector.extract_strided_slice %add3A_14 {offsets = [0, 6272], sizes = [256, 128], strides = [1, 1]} : vector<256x8192xf32> to vector<256x128xf32>
    %lt3A_326 = arith.cmpf olt, %slice3A_325, %select_n3A_321 : vector<256x128xf32>
    %select_n3A_327 = arith.select %lt3A_326, %slice3A_325, %select_n3A_321 : vector<256x128xi1>, vector<256x128xf32>
    %jit3A_328 = arith.constant 17 : i32
    %broadcast_in_dim3A_329 = vector.broadcast %jit3A_328 : i32 to vector<256x128xi32>
    %select_n3A_330 = arith.select %lt3A_326, %broadcast_in_dim3A_329, %select_n3A_324 : vector<256x128xi1>, vector<256x128xi32>
    %slice3A_331 = vector.extract_strided_slice %add3A_14 {offsets = [0, 6400], sizes = [256, 128], strides = [1, 1]} : vector<256x8192xf32> to vector<256x128xf32>
    %lt3A_332 = arith.cmpf olt, %slice3A_331, %select_n3A_327 : vector<256x128xf32>
    %select_n3A_333 = arith.select %lt3A_332, %slice3A_331, %select_n3A_327 : vector<256x128xi1>, vector<256x128xf32>
    %jit3A_334 = arith.constant 18 : i32
    %broadcast_in_dim3A_335 = vector.broadcast %jit3A_334 : i32 to vector<256x128xi32>
    %select_n3A_336 = arith.select %lt3A_332, %broadcast_in_dim3A_335, %select_n3A_330 : vector<256x128xi1>, vector<256x128xi32>
    %slice3A_337 = vector.extract_strided_slice %add3A_14 {offsets = [0, 6528], sizes = [256, 128], strides = [1, 1]} : vector<256x8192xf32> to vector<256x128xf32>
    %lt3A_338 = arith.cmpf olt, %slice3A_337, %select_n3A_333 : vector<256x128xf32>
    %select_n3A_339 = arith.select %lt3A_338, %slice3A_337, %select_n3A_333 : vector<256x128xi1>, vector<256x128xf32>
    %jit3A_340 = arith.constant 19 : i32
    %broadcast_in_dim3A_341 = vector.broadcast %jit3A_340 : i32 to vector<256x128xi32>
    %select_n3A_342 = arith.select %lt3A_338, %broadcast_in_dim3A_341, %select_n3A_336 : vector<256x128xi1>, vector<256x128xi32>
    %slice3A_343 = vector.extract_strided_slice %add3A_14 {offsets = [0, 6656], sizes = [256, 128], strides = [1, 1]} : vector<256x8192xf32> to vector<256x128xf32>
    %lt3A_344 = arith.cmpf olt, %slice3A_343, %select_n3A_339 : vector<256x128xf32>
    %select_n3A_345 = arith.select %lt3A_344, %slice3A_343, %select_n3A_339 : vector<256x128xi1>, vector<256x128xf32>
    %jit3A_346 = arith.constant 20 : i32
    %broadcast_in_dim3A_347 = vector.broadcast %jit3A_346 : i32 to vector<256x128xi32>
    %select_n3A_348 = arith.select %lt3A_344, %broadcast_in_dim3A_347, %select_n3A_342 : vector<256x128xi1>, vector<256x128xi32>
    %slice3A_349 = vector.extract_strided_slice %add3A_14 {offsets = [0, 6784], sizes = [256, 128], strides = [1, 1]} : vector<256x8192xf32> to vector<256x128xf32>
    %lt3A_350 = arith.cmpf olt, %slice3A_349, %select_n3A_345 : vector<256x128xf32>
    %select_n3A_351 = arith.select %lt3A_350, %slice3A_349, %select_n3A_345 : vector<256x128xi1>, vector<256x128xf32>
    %jit3A_352 = arith.constant 21 : i32
    %broadcast_in_dim3A_353 = vector.broadcast %jit3A_352 : i32 to vector<256x128xi32>
    %select_n3A_354 = arith.select %lt3A_350, %broadcast_in_dim3A_353, %select_n3A_348 : vector<256x128xi1>, vector<256x128xi32>
    %slice3A_355 = vector.extract_strided_slice %add3A_14 {offsets = [0, 6912], sizes = [256, 128], strides = [1, 1]} : vector<256x8192xf32> to vector<256x128xf32>
    %lt3A_356 = arith.cmpf olt, %slice3A_355, %select_n3A_351 : vector<256x128xf32>
    %select_n3A_357 = arith.select %lt3A_356, %slice3A_355, %select_n3A_351 : vector<256x128xi1>, vector<256x128xf32>
    %jit3A_358 = arith.constant 22 : i32
    %broadcast_in_dim3A_359 = vector.broadcast %jit3A_358 : i32 to vector<256x128xi32>
    %select_n3A_360 = arith.select %lt3A_356, %broadcast_in_dim3A_359, %select_n3A_354 : vector<256x128xi1>, vector<256x128xi32>
    %slice3A_361 = vector.extract_strided_slice %add3A_14 {offsets = [0, 7040], sizes = [256, 128], strides = [1, 1]} : vector<256x8192xf32> to vector<256x128xf32>
    %lt3A_362 = arith.cmpf olt, %slice3A_361, %select_n3A_357 : vector<256x128xf32>
    %select_n3A_363 = arith.select %lt3A_362, %slice3A_361, %select_n3A_357 : vector<256x128xi1>, vector<256x128xf32>
    %jit3A_364 = arith.constant 23 : i32
    %broadcast_in_dim3A_365 = vector.broadcast %jit3A_364 : i32 to vector<256x128xi32>
    %select_n3A_366 = arith.select %lt3A_362, %broadcast_in_dim3A_365, %select_n3A_360 : vector<256x128xi1>, vector<256x128xi32>
    %slice3A_367 = vector.extract_strided_slice %add3A_14 {offsets = [0, 7168], sizes = [256, 128], strides = [1, 1]} : vector<256x8192xf32> to vector<256x128xf32>
    %lt3A_368 = arith.cmpf olt, %slice3A_367, %select_n3A_363 : vector<256x128xf32>
    %select_n3A_369 = arith.select %lt3A_368, %slice3A_367, %select_n3A_363 : vector<256x128xi1>, vector<256x128xf32>
    %jit3A_370 = arith.constant 24 : i32
    %broadcast_in_dim3A_371 = vector.broadcast %jit3A_370 : i32 to vector<256x128xi32>
    %select_n3A_372 = arith.select %lt3A_368, %broadcast_in_dim3A_371, %select_n3A_366 : vector<256x128xi1>, vector<256x128xi32>
    %slice3A_373 = vector.extract_strided_slice %add3A_14 {offsets = [0, 7296], sizes = [256, 128], strides = [1, 1]} : vector<256x8192xf32> to vector<256x128xf32>
    %lt3A_374 = arith.cmpf olt, %slice3A_373, %select_n3A_369 : vector<256x128xf32>
    %select_n3A_375 = arith.select %lt3A_374, %slice3A_373, %select_n3A_369 : vector<256x128xi1>, vector<256x128xf32>
    %jit3A_376 = arith.constant 25 : i32
    %broadcast_in_dim3A_377 = vector.broadcast %jit3A_376 : i32 to vector<256x128xi32>
    %select_n3A_378 = arith.select %lt3A_374, %broadcast_in_dim3A_377, %select_n3A_372 : vector<256x128xi1>, vector<256x128xi32>
    %slice3A_379 = vector.extract_strided_slice %add3A_14 {offsets = [0, 7424], sizes = [256, 128], strides = [1, 1]} : vector<256x8192xf32> to vector<256x128xf32>
    %lt3A_380 = arith.cmpf olt, %slice3A_379, %select_n3A_375 : vector<256x128xf32>
    %select_n3A_381 = arith.select %lt3A_380, %slice3A_379, %select_n3A_375 : vector<256x128xi1>, vector<256x128xf32>
    %jit3A_382 = arith.constant 26 : i32
    %broadcast_in_dim3A_383 = vector.broadcast %jit3A_382 : i32 to vector<256x128xi32>
    %select_n3A_384 = arith.select %lt3A_380, %broadcast_in_dim3A_383, %select_n3A_378 : vector<256x128xi1>, vector<256x128xi32>
    %slice3A_385 = vector.extract_strided_slice %add3A_14 {offsets = [0, 7552], sizes = [256, 128], strides = [1, 1]} : vector<256x8192xf32> to vector<256x128xf32>
    %lt3A_386 = arith.cmpf olt, %slice3A_385, %select_n3A_381 : vector<256x128xf32>
    %select_n3A_387 = arith.select %lt3A_386, %slice3A_385, %select_n3A_381 : vector<256x128xi1>, vector<256x128xf32>
    %jit3A_388 = arith.constant 27 : i32
    %broadcast_in_dim3A_389 = vector.broadcast %jit3A_388 : i32 to vector<256x128xi32>
    %select_n3A_390 = arith.select %lt3A_386, %broadcast_in_dim3A_389, %select_n3A_384 : vector<256x128xi1>, vector<256x128xi32>
    %slice3A_391 = vector.extract_strided_slice %add3A_14 {offsets = [0, 7680], sizes = [256, 128], strides = [1, 1]} : vector<256x8192xf32> to vector<256x128xf32>
    %lt3A_392 = arith.cmpf olt, %slice3A_391, %select_n3A_387 : vector<256x128xf32>
    %select_n3A_393 = arith.select %lt3A_392, %slice3A_391, %select_n3A_387 : vector<256x128xi1>, vector<256x128xf32>
    %jit3A_394 = arith.constant 28 : i32
    %broadcast_in_dim3A_395 = vector.broadcast %jit3A_394 : i32 to vector<256x128xi32>
    %select_n3A_396 = arith.select %lt3A_392, %broadcast_in_dim3A_395, %select_n3A_390 : vector<256x128xi1>, vector<256x128xi32>
    %slice3A_397 = vector.extract_strided_slice %add3A_14 {offsets = [0, 7808], sizes = [256, 128], strides = [1, 1]} : vector<256x8192xf32> to vector<256x128xf32>
    %lt3A_398 = arith.cmpf olt, %slice3A_397, %select_n3A_393 : vector<256x128xf32>
    %select_n3A_399 = arith.select %lt3A_398, %slice3A_397, %select_n3A_393 : vector<256x128xi1>, vector<256x128xf32>
    %jit3A_400 = arith.constant 29 : i32
    %broadcast_in_dim3A_401 = vector.broadcast %jit3A_400 : i32 to vector<256x128xi32>
    %select_n3A_402 = arith.select %lt3A_398, %broadcast_in_dim3A_401, %select_n3A_396 : vector<256x128xi1>, vector<256x128xi32>
    %slice3A_403 = vector.extract_strided_slice %add3A_14 {offsets = [0, 7936], sizes = [256, 128], strides = [1, 1]} : vector<256x8192xf32> to vector<256x128xf32>
    %lt3A_404 = arith.cmpf olt, %slice3A_403, %select_n3A_399 : vector<256x128xf32>
    %select_n3A_405 = arith.select %lt3A_404, %slice3A_403, %select_n3A_399 : vector<256x128xi1>, vector<256x128xf32>
    %jit3A_406 = arith.constant 30 : i32
    %broadcast_in_dim3A_407 = vector.broadcast %jit3A_406 : i32 to vector<256x128xi32>
    %select_n3A_408 = arith.select %lt3A_404, %broadcast_in_dim3A_407, %select_n3A_402 : vector<256x128xi1>, vector<256x128xi32>
    %slice3A_409 = vector.extract_strided_slice %add3A_14 {offsets = [0, 8064], sizes = [256, 128], strides = [1, 1]} : vector<256x8192xf32> to vector<256x128xf32>
    %lt3A_410 = arith.cmpf olt, %slice3A_409, %select_n3A_405 : vector<256x128xf32>
    %select_n3A_411 = arith.select %lt3A_410, %slice3A_409, %select_n3A_405 : vector<256x128xi1>, vector<256x128xf32>
    %jit3A_412 = arith.constant 31 : i32
    %broadcast_in_dim3A_413 = vector.broadcast %jit3A_412 : i32 to vector<256x128xi32>
    %select_n3A_414 = arith.select %lt3A_410, %broadcast_in_dim3A_413, %select_n3A_408 : vector<256x128xi1>, vector<256x128xi32>
    %reduce_min3A_415 = arith.constant dense<0x7F800000> : vector<256xf32>
    %reduce_min3A_416 = vector.multi_reduction <minimumf>, %select_n3A_411, %reduce_min3A_415 [1] : vector<256x128xf32> to vector<256xf32>
    %broadcast_in_dim3A_417 = vector.shape_cast %reduce_min3A_416 : vector<256xf32> to vector<256x1xf32>
    %mul3A_418 = arith.constant 128 : i32
    %mul3A_419 = vector.broadcast %mul3A_418 : i32 to vector<256x128xi32>
    %mul3A_420 = arith.muli %select_n3A_414, %mul3A_419 : vector<256x128xi32>
    %add3A_421 = arith.addi %mul3A_420, %iota3A : vector<256x128xi32>
    %add3A_422 = arith.constant 4096 : i32
    %add3A_423 = vector.broadcast %add3A_422 : i32 to vector<256x128xi32>
    %add3A_424 = arith.addi %add3A_421, %add3A_423 : vector<256x128xi32>
    %eq3A_425 = vector.broadcast %broadcast_in_dim3A_417 : vector<256x1xf32> to vector<256x128xf32>
    %eq3A_426 = arith.cmpf oeq, %select_n3A_411, %eq3A_425 : vector<256x128xf32>
    %jit3A_427 = arith.constant 8192 : i32
    %broadcast_in_dim3A_428 = vector.broadcast %jit3A_427 : i32 to vector<256x128xi32>
    %select_n3A_429 = arith.select %eq3A_426, %add3A_424, %broadcast_in_dim3A_428 : vector<256x128xi1>, vector<256x128xi32>
    %reduce_min3A_430 = arith.constant dense<2147483647> : vector<256xi32>
    %reduce_min3A_431 = vector.multi_reduction <minsi>, %select_n3A_429, %reduce_min3A_430 [1] : vector<256x128xi32> to vector<256xi32>
    %broadcast_in_dim3A_432 = vector.shape_cast %reduce_min3A_431 : vector<256xi32> to vector<256x1xi32>
    %lt3A_433 = arith.cmpf olt, %broadcast_in_dim3A_417, %bitcast_convert_type3A_225 : vector<256x1xf32>
    %select_n3A_434 = arith.select %lt3A_433, %broadcast_in_dim3A_432, %broadcast_in_dim3A_213 : vector<256x1xi1>, vector<256x1xi32>
    %select_n3A_435 = arith.select %lt3A_433, %broadcast_in_dim3A_417, %broadcast_in_dim3A_200 : vector<256x1xi1>, vector<256x1xf32>
    %squeeze3A = vector.shape_cast %select_n3A_434 : vector<256x1xi32> to vector<256xi32>
    %reshape3A = vector.shape_cast %squeeze3A : vector<256xi32> to vector<1x1x256xi32>
    %swap3A = arith.constant 0 : index
    %swap3A_436 = arith.constant 0 : index
    %swap3A_437 = arith.constant 0 : index
    %swap3A_438 = vector.load %arg5[%swap3A, %swap3A_436, %swap3A_437] : memref<1x1x256xi32, #tpu.memory_space<vmem>>, vector<1x1x256xi32>
    tpu.vector_store %arg5[%swap3A, %swap3A_436, %swap3A_437], %reshape3A {strides = array<i32>} : memref<1x1x256xi32, #tpu.memory_space<vmem>>, vector<1x1x256xi32>,
    %eq3A_439 = arith.constant 0 : i32
    %eq3A_440 = arith.cmpi eq, %arg0, %eq3A_439 : i32
    %convert_element_type3A = arith.extui %eq3A_440 : i1 to i32
    %cond3A = arith.constant 0 : i32
    %cond3A_441 = arith.cmpi ne, %convert_element_type3A, %cond3A : i32
    scf.if %cond3A_441 {
      %broadcast_in_dim3A_459 = arith.constant 0.000000e+00 : f32
      %broadcast_in_dim3A_460 = vector.broadcast %broadcast_in_dim3A_459 : f32 to vector<1x1xf32>
      %swap3A_461 = arith.constant 0 : index
      %swap3A_462 = arith.constant 0 : index
      %swap3A_463 = vector.load %arg6[%swap3A_461, %swap3A_462] : memref<1x1xf32, #tpu.memory_space<vmem>>, vector<1x1xf32>
      tpu.vector_store %arg6[%swap3A_461, %swap3A_462], %broadcast_in_dim3A_460 {strides = array<i32>} : memref<1x1xf32, #tpu.memory_space<vmem>>, vector<1x1xf32>,
    } else {
    }
    %get3A_442 = arith.constant 0 : index
    %get3A_443 = arith.constant 0 : index
    %get3A_444 = vector.load %arg6[%get3A_442, %get3A_443] : memref<1x1xf32, #tpu.memory_space<vmem>>, vector<1x1xf32>
    %reduce_sum3A = vector.shape_cast %select_n3A_435 : vector<256x1xf32> to vector<1x256x1xf32>
    %reduce_sum3A_445 = arith.constant dense<0.000000e+00> : vector<1xf32>
    %reduce_sum3A_446 = vector.multi_reduction <add>, %reduce_sum3A, %reduce_sum3A_445 [1, 2] : vector<1x256x1xf32> to vector<1xf32>
    %reduce_sum3A_447 = vector.shape_cast %reduce_sum3A_446 : vector<1xf32> to vector<1x1x1xf32>
    %reduce_sum3A_448 = vector.extract %reduce_sum3A_447[0, 0, 0] : f32 from vector<1x1x1xf32>
    %reshape3A_449 = vector.broadcast %reduce_sum3A_448 : f32 to vector<1x1xf32>
    %add3A_450 = arith.addf %get3A_444, %reshape3A_449 : vector<1x1xf32>
    %swap3A_451 = arith.constant 0 : index
    %swap3A_452 = arith.constant 0 : index
    %swap3A_453 = vector.load %arg6[%swap3A_451, %swap3A_452] : memref<1x1xf32, #tpu.memory_space<vmem>>, vector<1x1xf32>
    tpu.vector_store %arg6[%swap3A_451, %swap3A_452], %add3A_450 {strides = array<i32>} : memref<1x1xf32, #tpu.memory_space<vmem>>, vector<1x1xf32>,
    %eq3A_454 = arith.constant 63 : i32
    %eq3A_455 = arith.cmpi eq, %arg0, %eq3A_454 : i32
    %convert_element_type3A_456 = arith.extui %eq3A_455 : i1 to i32
    %cond3A_457 = arith.constant 0 : i32
    %cond3A_458 = arith.cmpi ne, %convert_element_type3A_456, %cond3A_457 : i32
    scf.if %cond3A_458 {
      %get3A_459 = arith.constant 0 : index
      %get3A_460 = arith.constant 0 : index
      %get3A_461 = vector.load %arg6[%get3A_459, %get3A_460] : memref<1x1xf32, #tpu.memory_space<vmem>>, vector<1x1xf32>
      %mul3A_462 = arith.constant 1.90734863E-6 : f32
      %mul3A_463 = vector.broadcast %mul3A_462 : f32 to vector<1x1xf32>
      %mul3A_464 = arith.mulf %get3A_461, %mul3A_463 : vector<1x1xf32>
      %swap3A_465 = arith.constant 0 : index
      %swap3A_466 = arith.constant 0 : index
      %swap3A_467 = vector.load %arg6[%swap3A_465, %swap3A_466] : memref<1x1xf32, #tpu.memory_space<vmem>>, vector<1x1xf32>
      tpu.vector_store %arg6[%swap3A_465, %swap3A_466], %mul3A_464 {strides = array<i32>} : memref<1x1xf32, #tpu.memory_space<vmem>>, vector<1x1xf32>,
    } else {
    }
    return
  }
  func.func @transform_0(%arg0: i32) -> (i32, i32) {
    %c0_i32 = arith.constant 0 : i32
    %c0_i32_0 = arith.constant 0 : i32
    return %arg0, %c0_i32 : i32, i32
  }
  func.func @transform_1(%arg0: i32) -> (i32, i32) {
    %c0_i32 = arith.constant 0 : i32
    %c0_i32_0 = arith.constant 0 : i32
    %c0_i32_1 = arith.constant 0 : i32
    return %c0_i32, %c0_i32_0 : i32, i32
  }
  func.func @transform_2(%arg0: i32) -> (i32, i32) {
    %c0_i32 = arith.constant 0 : i32
    %c0_i32_0 = arith.constant 0 : i32
    return %arg0, %c0_i32 : i32, i32
  }
  func.func @transform_3(%arg0: i32) -> (i32, i32) {
    %c0_i32 = arith.constant 0 : i32
    %c0_i32_0 = arith.constant 0 : i32
    %c0_i32_1 = arith.constant 0 : i32
    return %c0_i32, %c0_i32_0 : i32, i32
  }
  func.func @transform_4(%arg0: i32) -> (i32, i32, i32) {
    %c0_i32 = arith.constant 0 : i32
    %c0_i32_0 = arith.constant 0 : i32
    %c0_i32_1 = arith.constant 0 : i32
    return %arg0, %c0_i32, %c0_i32_0 : i32, i32, i32
  }
  func.func @transform_5(%arg0: i32) -> (i32, i32) {
    %c0_i32 = arith.constant 0 : i32
    %c0_i32_0 = arith.constant 0 : i32
    %c0_i32_1 = arith.constant 0 : i32
    return %c0_i32, %c0_i32_0 : i32, i32
  }
}

</mosaic_0001>

<sc_bundles>
// kernel: kernel.4.cloned.1.call-start
scs
__scs_entry_jumppad:
0x0: {  	(pc) =	sbr.rel $0x88, $3  }
0x1: {  	(tag) =	ssettag $0x0;
	lr =	simm.s32 $0x1  }
0x2: {  	[smem:$0x3F9D] =	sst lr;
	_ =	strace $0xD0000000  }
0x3: {  	_ = 	snop  }
0x4: {  	_ = 	snop  }
0x5: {  	_ = 	snop  }
0x6: {  	_ = 	snop  }
0x7: {  	_ = 	snop  }
__scs_overlays_trampoline_lowered:
0x8: {  	[smem:$0x3FAC] =	sst s0  }
0x9: {  	[smem:$0x3FAD] =	sst s1  }
0xa: {  	[smem:$0x3FAE] =	sst s2  }
0xb: {  	[smem:$0x3FAF] =	sst s3  }
0xc: {  	[smem:$0x3FB0] =	sst s4  }
0xd: {  	[smem:$0x3FB1] =	sst s5  }
0xe: {  	[smem:$0x3FB2] =	sst s6  }
0xf: {  	[smem:$0x3FB3] =	sst s7  }
0x10: {  	[smem:$0x3FB4] =	sst s8  }
0x11: {  	[smem:$0x3FB5] =	sst s9;
	s0 =	simm.s32 @!p0 $0x0  }
0x12: {  	s1 =	sld [smem:$0x3F9B];
	s0 =	simm.s32 @p0 $0x1  }
0x13: {  	[smem:$0x3FB6] =	sst s0;
	s0 =	simm.s32 @!p1 $0x0  }
0x14: {  	s2 =	sld [smem:$0x3F9A];
	s0 =	simm.s32 @p1 $0x1  }
0x15: {  	[smem:$0x3FB7] =	sst s0;
	s0 =	simm.s32 @!p2 $0x0  }
0x16: {  	s3 =	sld [smem:$0x3FDB];
	s0 =	simm.s32 @p2 $0x1  }
0x17: {  	s4 =	simm.s32 $0x1BF5;
	[smem:$0x3FB9] =	sst s0  }
0x18: {  	s0 =	sld [smem:$0x3F9C];
	_ =	swait.ge [sflag:s4], $0x0  }
0x19: {  	s7 =	sld [smem:$0x3F9D]  }
0x1a: {  	s8 =	sadd.s32 $0xFFFFE003, lr  }
0x1b: {  	s9 =	sadd.s32 $0xFFFFFEF7, lr;
	s5 =	simm.s32 $0xFFFFFFFF;
	p2 =	slt.u32 s8, $0xFFFFF086  }
0x1c: {  	p1 =	slt.u32 s9, $0xF7A;
	s5 =	simm.s32 @!p2 $0x0  }
0x1d: {  	s5 =	simm.s32 @p1 $0x1;
	p0 =	seq.s32 s7, s2  }
0x1e: {  	s7 =	smul.u32 @!p0 $0xF7A, s2;
	p2 =	seq.s32 @!p0 s5, $0x0  }
0x1f: {  	s9 =	smul.u32 $0xF7A, s1;
	s8 =	simm.s32 @!p0 $0x1BF5;
	p2 =	por !p2, p0  }
0x20: {  	[sflag:s8] =	ssyncset.s32 @!p0 $0xFFFFF086;
	s6 =	sadd.s32 @!p0 s3, s7;
	s7 =	simm.s32 @!p0 $0x108  }
0x21: {  	s3 =	sadd.s32 s3, s9;
	s6 =	sadd.s32 @!p0 $0x88, s6;
	s7 =	simm.s32 @p2 $0x1082  }
0x22: {  	[simem:s7], [sflag:s8] =	dma.local @!p0 [hbm:s6], $0xF7A  }
0x23: {  	s9 =	sor.u32 $0xD0000000, s2;
	s6 =	simm.s32 $0x108;
	_ =	swait.ge @!p0 [sflag:s8], $0x0  }
0x24: {  	s3 =	sadd.s32 $0x88, s3;
	s6 =	simm.s32 @!p1 $0x1082;
	[sflag:s4] =	ssyncset.s32 $0xFFFFF086  }
0x25: {  	[simem:s6], [sflag:s4] =	dma.local [hbm:s3], $0xF7A  }
0x26: {  	[smem:$0x3F9D] =	sst s1;
	(tag) =	ssettag s2;
	_ =	strace s9  }
0x27: {  	s1 =	sld [smem:$0x3FAD]  }
0x28: {  	s2 =	sld [smem:$0x3FAE]  }
0x29: {  	s4 =	sld [smem:$0x3FB0]  }
0x2a: {  	p0 =	seq.s32 s5, $0x0;
	s5 =	sld [smem:$0x3FB1]  }
0x2b: {  	s6 =	sld [smem:$0x3FB2]  }
0x2c: {  	s7 =	sld [smem:$0x3FB3]  }
0x2d: {  	s3 =	simm.s32 $0x108;
	s8 =	sld [smem:$0x3FB4]  }
0x2e: {  	s3 =	simm.s32 @!p0 $0x1082;
	s9 =	sld [smem:$0x3FB5]  }
0x2f: {  	lr =	sadd.s32 s0, s3;
	s0 =	sld [smem:$0x3FAC]  }
0x30: {  	s3 =	sld [smem:$0x3FAF]  }
0x31: {  	[smem:$0x3FB8] =	sst s10  }
0x32: {  	s10 =	sld [smem:$0x3FB6];
	_ =	sdelay $0x3  }
0x33: {  	p0 =	seq.s32 s10, $0x1;
	s10 =	sld [smem:$0x3FB8];
	_ =	sdelay $0x3  }
0x34: {  	[smem:$0x3FB8] =	sst s10  }
0x35: {  	s10 =	sld [smem:$0x3FB7];
	_ =	sdelay $0x3  }
0x36: {  	p1 =	seq.s32 s10, $0x1;
	s10 =	sld [smem:$0x3FB8];
	_ =	sdelay $0x3  }
0x37: {  	[smem:$0x3FB8] =	sst s10  }
0x38: {  	s10 =	sld [smem:$0x3FB9]  }
0x39: {  	_ = 	snop;
	(pc) =	sbr.ind lr, $3  }
0x3a: {  	_ = 	snop  }
0x3b: {  	_ = 	snop  }
0x3c: {  	p2 =	seq.s32 s10, $0x1;
	s10 =	sld [smem:$0x3FB8]  }
0x3d: {  	_ =	shalt  }
0x3e: {  	_ =	shalt  }
0x3f: {  	_ =	shalt  }
0x40: {  	_ =	shalt  }
0x41: {  	_ =	shalt  }
0x42: {  	_ =	shalt  }
0x43: {  	_ =	shalt  }
0x44: {  	_ =	shalt  }
0x45: {  	_ =	shalt  }
0x46: {  	_ =	shalt  }
0x47: {  	_ =	shalt  }
0x48: {  	_ =	shalt  }
0x49: {  	_ =	shalt  }
0x4a: {  	_ =	shalt  }
0x4b: {  	_ =	shalt  }
0x4c: {  	_ =	shalt  }
0x4d: {  	_ =	shalt  }
0x4e: {  	_ =	shalt  }
0x4f: {  	_ =	shalt  }
0x50: {  	_ =	shalt  }
0x51: {  	_ =	shalt  }
0x52: {  	_ =	shalt  }
0x53: {  	_ =	shalt  }
0x54: {  	_ =	shalt  }
0x55: {  	_ =	shalt  }
0x56: {  	_ =	shalt  }
0x57: {  	_ =	shalt  }
0x58: {  	_ =	shalt  }
0x59: {  	_ =	shalt  }
0x5a: {  	_ =	shalt  }
0x5b: {  	_ =	shalt  }
0x5c: {  	_ =	shalt  }
0x5d: {  	_ =	shalt  }
0x5e: {  	_ =	shalt  }
0x5f: {  	_ =	shalt  }
0x60: {  	_ =	shalt  }
0x61: {  	_ =	shalt  }
0x62: {  	_ =	shalt  }
0x63: {  	_ =	shalt  }
0x64: {  	_ =	shalt  }
0x65: {  	_ =	shalt  }
0x66: {  	_ =	shalt  }
0x67: {  	_ =	shalt  }
0x68: {  	_ =	shalt  }
0x69: {  	_ =	shalt  }
0x6a: {  	_ =	shalt  }
0x6b: {  	_ =	shalt  }
0x6c: {  	_ =	shalt  }
0x6d: {  	_ =	shalt  }
0x6e: {  	_ =	shalt  }
0x6f: {  	_ =	shalt  }
0x70: {  	_ =	shalt  }
0x71: {  	_ =	shalt  }
0x72: {  	_ =	shalt  }
0x73: {  	_ =	shalt  }
0x74: {  	_ =	shalt  }
0x75: {  	_ =	shalt  }
0x76: {  	_ =	shalt  }
0x77: {  	_ =	shalt  }
0x78: {  	_ =	shalt  }
0x79: {  	_ =	shalt  }
0x7a: {  	_ =	shalt  }
0x7b: {  	_ =	shalt  }
0x7c: {  	_ =	shalt  }
0x7d: {  	_ =	shalt  }
0x7e: {  	_ =	shalt  }
0x7f: {  	_ =	shalt  }
0x80: {  	_ =	shalt  }
0x81: {  	_ =	shalt  }
0x82: {  	_ =	shalt  }
0x83: {  	_ =	shalt  }
0x84: {  	_ =	shalt  }
0x85: {  	_ =	shalt  }
0x86: {  	_ =	shalt  }
0x87: {  	_ =	shalt  }
.Lfunc_end0:
.L_simem_size_0:
called_computation_lowered:
.L_overlay_start_0:
0x88: {  	s2 =	sld [smem:$0x3FD9]  }
0x89: {  	s3 =	sld [smem:$0x3FFE];
	_ =	sdelay $0x1  }
0x8a: {  	s1 =	srdreg.scid  }
0x8b: {  	s0 =	sand.u32 $0x1, s1  }
0x8c: {  	s14 =	sshll.u32 s0, $0xA;
	s2 =	sadd.s32 s3, s2  }
0x8d: {  	s2 =	sadd.s32 s2, s14  }
0x8e: {  	[smem:$0x3FC4] =	sst s2  }
0x8f: {  	_ = 	snop  }
0x90: {  	s2 =	sld [smem:$0x3FD0];
	_ =	sdelay $0x2  }
0x91: {  	s15 =	simm.s32 $0xA;
	s4 =	simm.s32 $0x10  }
0x92: {  	[smem:s4], [sflag:s15] =	dma.local [hbm:s2], $0x1  }
0x93: {  	_ =	swait.eq [sflag:s15], $0x1  }
0x94: {  	[sflag:s15] =	ssyncset.done $0x0  }
0x95: {  	[sflag:s15] =	ssyncadd.s32 $0xFFFFFFFF  }
0x96: {  	s16 =	sld [smem:$0x10];
	(tm) =	ssettm $0x1  }
0x97: {  	s17 =	sld [smem:$0x3FFB];
	_ =	sdelay $0x3  }
0x98: {  	_ =	strace s17  }
0x99: {  	s3 =	sld [smem:$0x3FFC];
	_ =	sdelay $0x3  }
0x9a: {  	_ =	strace s3  }
0x9b: {  	s3 =	sld [smem:$0x3FFD];
	_ =	sdelay $0x3  }
0x9c: {  	_ =	strace s3  }
0x9d: {  	_ =	strace $0x8FFFFFFF  }
0x9e: {  	s18 =	sld [smem:$0x3FDB];
	_ =	sdelay $0x1  }
0x9f: {  	s19 =	simm.s32 $_scs_section_size  }
0xa0: {  	s5 =	simm.s32 $_size__tile_overlayer_lowered;
	s6 =	simm.s32 $_tile_overlayer_lowered  }
0xa1: {  	s22 =	simm.s32 $0x1BFF;
	s21 =	sshll.u32 s6, $0x1;
	s3 =	sadd.s32 s19, s18  }
0xa2: {  	s7 =	simm.s32 $0x0;
	s20 =	sshll.u32 s5, $0x1;
	s5 =	sadd.s32 s21, s3  }
0xa3: {  	[timem:s7], [sflag:s22] =	dma.local [hbm:s5], s20  }
0xa4: {  	_ =	swait.ge [sflag:s22], s20  }
0xa5: {  	s4 =	ssub.s32 $0x0, s20;
	[sflag:s22] =	ssyncset.done $0x0  }
0xa6: {  	[sflag:s22] =	ssyncadd.s32 s4;
	_ =	sdelay $0x1  }
0xa7: {  	s23 =	simm.s32 $0x1B8B  }
0xa8: {  	_ =	swait.ge [sflag:s23], $0x1  }
0xa9: {  	[sflag:s23] =	ssyncset.done $0x0  }
0xaa: {  	s25 =	simm.s32 $0x1B8E;
	s24 =	sld [smem:$0x3FFE];
	[sflag:s23] =	ssyncadd.s32 $0xFFFFFFFF  }
0xab: {  	s26 =	simm.s32 $execute0_lowered;
	[smem:$0x3FD2] =	sst s25  }
0xac: {  	s5 =	sshll.u32 s26, $0x1;
	_ =	strace $0x80000046;
	[dreg:$0x1] =	wrdreg $0xFFFFFFFF  }
0xad: {  	s28 =	simm.s32 $_size_execute0_lowered;
	s3 =	sadd.s32 s3, s5;
	[dreg:$0x0] =	wrdreg $0x0  }
0xae: {  	s5 =	sshll.u32 s28, $0x1;
	[dreg:$0x2] =	wrdreg s3  }
0xaf: {  	[dreg:$0x3] =	wrdreg s5  }
0xb0: {  	[dreg:$0x4] =	wrdreg $0xC0  }
0xb1: {  	_ =	task [dreg:s7], $0x5FFFF  }
0xb2: {  	[dreg:$0x1] =	wrdreg $0xFFFFFFFF  }
0xb3: {  	[dreg:$0x0] =	wrdreg $0x60  }
0xb4: {  	[dreg:$0x2] =	wrdreg s24  }
0xb5: {  	[dreg:$0x3] =	wrdreg s16  }
0xb6: {  	[dreg:$0x4] =	wrdreg $0x9  }
0xb7: {  	_ =	task.clear_ibuf [dreg:s7], $0x5FFFF;
	_ =	strace $0x90000046  }
0xb8: {  	s29 =	simm.s32 $0x9;
	_ =	strace $0x80000048  }
0xb9: {  	_ =	swait.ge [sflag:s29], $0x1  }
0xba: {  	[sflag:s29] =	ssyncadd.s32 $0xFFFFFFFF  }
0xbb: {  	_ =	strace $0x90000048  }
0xbc: {  	_ =	sfence  }
0xbd: {  	s30 =	sld [smem:$0x0];
	_ =	sdelay $0x2  }
0xbe: {  	s31 =	sshll.u32 s1, $0xD;
	s1 =	sshrl.u32 s1, $0x2  }
0xbf: {  	s3 =	sand.u32 $0x4000, s31;
	s1 =	sadd.s32 s1, s30  }
0xc0: {  	s0 =	sor.u32 s3, s0;
	s1 =	sshll.u32 s1, $0x11  }
0xc1: {  	s0 =	sor.u32 s1, s0  }
0xc2: {  	s0 =	sadd.s32 $0x8F2B, s0  }
0xc3: {  	[sflag:s0] =	ssyncadd.remote.s32 $0x1  }
0xc4: {  	_ =	sfence.sel $0xFFFF  }
0xc5: {  	[dreg:$0x0] =	wrdreg $0xFFFFFFFF;
	(pc) =	sbr.abs _section_cstart, $3  }
0xc6: {  	[dreg:$0x1] =	wrdreg $0xFFFFFFFF  }
0xc7: {  	_ =	task.clear_ibuf [dreg:s7], $0x2FFFF;
	_ =	strace $0x9FFFFFFF  }
0xc8: {  	(tm) =	ssettm $0x7FFFFFFF  }
0xc9: {  	_ =	shalt  }
tec
execute0_lowered:
.L_overlay_start_1:
0x0: {  	(tag) =	ssettag $0x1  }
0x1: {  	s1 =	srdreg.scid;
	s0 =	stileid.u32  }
0x2: {  	s2 =	rddreg [dreg:$0x0];
	s12 =	sand.u32 $0x1, s1;
	s30 =	sshll.u32 s0, $0x1  }
0x3: {  	s14 =	rddreg [dreg:$0x1];
	s15 =	sor.u32 s12, s30  }
0x4: {  	s3 =	simm.s32 $0x0;
	s1 =	rddreg [dreg:$0x2];
	s4 =	sshll.u32 s15, $0x6  }
0x5: {  	[smem:$0x7FF] =	sst s3;
	s4 =	sadd.s32 s4, s2  }
0x6: {  	_ =	strace $0x80000047;
	s5 =	sadd.s32 $0x8000, s4;
	s4 =	simm.s32 $0x2  }
0x7: {  	[tilespmem:s3], [sflag:$0x2] =	stream.linear.gather [hbm4b:s5+s3], $0x200, $0x38;
	[tilespmem:$0x4200] =	vst v63  }
0x8: {  	_ =	swait.ge [sflag:s4], $0x200  }
0x9: {  	s6 =	simm.s32 $0x80;
	[sflag:s4] =	ssyncset.done $0x0  }
0xa: {  	s7 =	simm.s32 $0x200;
	s8 =	simm.s32 $0x1;
	[sflag:s4] =	ssyncadd.s32 $0xFFFFFE00  }
0xb: {  	[tilespmem:s7], [sflag:$0x1] =	stream.indirect.gather [hbm4b:s2+s6], $0x20, s3, s6, $0xb8;
	[tilespmem:$0x4200] =	vst v63  }
0xc: {  	_ =	swait.ge [sflag:s8], $0x1000  }
0xd: {  	[sflag:s8] =	ssyncset.done $0x0  }
0xe: {  	s9 =	simm.s32 $0x1200;
	[sflag:s8] =	ssyncadd.s32 $0xFFFFF000  }
0xf: {  	[tilespmem:s9], [sflag:$0x1] =	stream.indirect.gather [hbm4b:s2+s6], $0x20, s6, s6, $0xb8;
	[tilespmem:$0x4200] =	vst v63  }
0x10: {  	_ =	swait.ge [sflag:s8], $0x1000  }
0x11: {  	s10 =	simm.s32 $0x100;
	[sflag:s8] =	ssyncset.done $0x0  }
0x12: {  	s11 =	simm.s32 $0x2200;
	s16 =	ssub.s32 $0x2, s12;
	[sflag:s8] =	ssyncadd.s32 $0xFFFFF000  }
0x13: {  	[tilespmem:s11], [sflag:$0x1] =	stream.indirect.gather [hbm4b:s2+s6], $0x20, s10, s6, $0xb8;
	[tilespmem:$0x4200] =	vst v63  }
0x14: {  	s17 =	sshrl.u32 s16, $0x1;
	_ =	swait.ge [sflag:s8], $0x1000  }
0x15: {  	s13 =	simm.s32 $0x3200;
	s16 =	ssub.s32 s16, s17;
	[sflag:s8] =	ssyncset.done $0x0  }
0x16: {  	s12 =	simm.s32 $0x180;
	s31 =	smax.u32 s16, $0x1;
	[sflag:s8] =	ssyncadd.s32 $0xFFFFF000  }
0x17: {  	[tilespmem:s13], [sflag:$0x1] =	stream.indirect.gather [hbm4b:s2+s6], $0x20, s12, s6, $0xb8;
	[tilespmem:$0x4200] =	vst v63  }
0x18: {  	p0 =	sne.s32 s31, $0x1;
	_ =	swait.ge [sflag:s8], $0x1000  }
.Ltmp0:
0x19: {  	s15 =	sshll.u32 s15, $0xB;
	[sflag:s8] =	ssyncset.done $0x0;
	(pc) =	sbr.rel @!p0 .LBB2_2-.Ltmp0, $4  }
0x1a: {  	s14 =	sadd.s32 s14, s15;
	[sflag:s8] =	ssyncadd.s32 $0xFFFFF000  }
0x1b: {  	[hbm4b:s14+s3] =	stream.linear.scatter [tilespmem:s7], [sflag:$0x2], $0x4000, $0x38;
	[tilespmem:$0x4200] =	vst v63  }
0x1c: {  	_ =	swait.ge [sflag:s4], $0x4000  }
0x1d: {  	s15 =	sadd.s32 $0xFFFFFFFF, s31;
	[sflag:s4] =	ssyncset.done $0x0  }
.LBB2_1:
0x1e: {  	p0 =	sne.s32 s15, $0x1;
	s15 =	sadd.s32 $0xFFFFFFFF, s15;
	[sflag:s4] =	ssyncadd.s32 $0xFFFFC000  }
0x1f: {  	[tilespmem:s3], [sflag:$0x2] =	stream.linear.gather [hbm4b:s5+s3], $0x200, $0x38;
	[tilespmem:$0x4200] =	vst v63  }
0x20: {  	_ =	swait.ge [sflag:s4], $0x200  }
0x21: {  	[sflag:s4] =	ssyncset.done $0x0  }
0x22: {  	[sflag:s4] =	ssyncadd.s32 $0xFFFFFE00  }
0x23: {  	[tilespmem:s7], [sflag:$0x1] =	stream.indirect.gather [hbm4b:s2+s6], $0x20, s3, s6, $0xb8;
	[tilespmem:$0x4200] =	vst v63  }
0x24: {  	_ =	swait.ge [sflag:s8], $0x1000  }
0x25: {  	[sflag:s8] =	ssyncset.done $0x0  }
0x26: {  	[sflag:s8] =	ssyncadd.s32 $0xFFFFF000  }
0x27: {  	[tilespmem:s9], [sflag:$0x1] =	stream.indirect.gather [hbm4b:s2+s6], $0x20, s6, s6, $0xb8;
	[tilespmem:$0x4200] =	vst v63  }
0x28: {  	_ =	swait.ge [sflag:s8], $0x1000  }
0x29: {  	[sflag:s8] =	ssyncset.done $0x0  }
0x2a: {  	[sflag:s8] =	ssyncadd.s32 $0xFFFFF000  }
0x2b: {  	[tilespmem:s11], [sflag:$0x1] =	stream.indirect.gather [hbm4b:s2+s6], $0x20, s10, s6, $0xb8;
	[tilespmem:$0x4200] =	vst v63  }
0x2c: {  	_ =	swait.ge [sflag:s8], $0x1000  }
0x2d: {  	[sflag:s8] =	ssyncset.done $0x0  }
0x2e: {  	[sflag:s8] =	ssyncadd.s32 $0xFFFFF000  }
0x2f: {  	[tilespmem:s13], [sflag:$0x1] =	stream.indirect.gather [hbm4b:s2+s6], $0x20, s12, s6, $0xb8;
	[tilespmem:$0x4200] =	vst v63  }
0x30: {  	_ =	swait.ge [sflag:s8], $0x1000  }
.Ltmp1:
0x31: {  	[sflag:s8] =	ssyncset.done $0x0;
	(pc) =	sbr.rel @p0 .LBB2_1-.Ltmp1, $4  }
0x32: {  	[sflag:s8] =	ssyncadd.s32 $0xFFFFF000  }
0x33: {  	[hbm4b:s14+s3] =	stream.linear.scatter [tilespmem:s7], [sflag:$0x2], $0x4000, $0x38;
	[tilespmem:$0x4200] =	vst v63  }
0x34: {  	_ =	swait.ge [sflag:s4], $0x4000  }
0x35: {  	[sflag:s4] =	ssyncset.done $0x0  }
.LBB2_2:
0x36: {  	[sflag:s4] =	ssyncadd.s32 $0xFFFFC000  }
0x37: {  	_ =	sfence.sel $0x180000  }
0x38: {  	[bflag:$0x0] =	sbarrier.arrive $0xFFFF  }
0x39: {  	p0 =	sne.s32 s0, $0x0;
	_ =	strace $0x90000047  }
0x3a: {  	s0 =	sadd.s32 @!p0 $0x100000, s1;
	[bflag:$0x2] =	sbarrier.arrive $0xFFFF  }
0x3b: {  	[sflag:s0] =	ssyncadd.tile.s32 @!p0 $0x1;
	_ =	shalt  }
.Lfunc_end2:
_tile_overlayer_lowered:
.L_overlay_start_2:
0x3c: {  	(tag) =	ssettag $0x2  }
0x3d: {  	s0 =	rddreg [dreg:$0x0];
	s2 =	stileid.u32  }
0x3e: {  	s1 =	rddreg [dreg:$0x1];
	p0 =	sne.s32 s2, $0x0  }
0x3f: {  	s3 =	rddreg [dreg:$0x2];
	[bflag:$0x3] =	sbarrier.arrive $0xFFFF;
	s2 =	simm.s32 @!p0 $0x1C02  }
0x40: {  	[timem:s3], [sflag:s2] =	dma.local @!p0 [hbm:s0], s1  }
0x41: {  	s0 =	simm.s32 @!p0 $0x2  }
0x42: {  	_ =	swait.ge @!p0 [sflag:s0], s1  }
0x43: {  	s1 =	ssub.s32 @!p0 $0x0, s1;
	[sflag:s0] =	ssyncset.done @!p0 $0x0  }
0x44: {  	[sflag:s0] =	ssyncadd.s32 @!p0 s1  }
0x45: {  	[bflag:$0x3] =	sbarrier.arrive $0xFFFF  }
0x46: {  	_ =	shalt  }

</sc_bundles>
